<compile_context>
chip_gen: v7x
topology: tpu7x:2x2x1
jax: 0.10.2.dev20260603
libtpu: 0.0.44.dev20260713+nightly
codegen_flags: <defaults>
</compile_context>

<pallas_src>
import numpy as np
import jax
import jax.numpy as jnp
from jax import lax
from jax.experimental import pallas as pl
from jax.experimental.pallas import tpu as pltpu
from jax.experimental.pallas import tpu_sc as plsc

_VOCAB = 1000000
_EMBED = 64
_SEQ = 200
_BATCH = 4096

_NC = 2
_NS = 16
_NW = _NC * _NS
_BW = _BATCH // _NW
_NBUF = 2
_EPAD = 72
_SCALE = float(np.sqrt(_EMBED))


def _positional_encoding():
    depth_h = _EMBED / 2
    positions = np.arange(_SEQ)[:, np.newaxis]
    depths = np.arange(depth_h)[np.newaxis, :] / depth_h
    angle_rates = 1 / 10000 ** depths
    angle_rads = positions * angle_rates
    pos = np.concatenate([np.sin(angle_rads), np.cos(angle_rads)], axis=-1)
    return pos.astype(np.float32)


_POS = _positional_encoding()


def _body(x_hbm, pos_hbm, table_hbm, out_hbm, idx_v, pos_v, grows, tbuf,
          gsem, ssem):
    c = lax.axis_index("c")
    s = lax.axis_index("s")
    wid = s * _NC + c
    b0 = wid * _BW
    pltpu.sync_copy(x_hbm.at[wid], idx_v)
    pltpu.sync_copy(pos_hbm, pos_v)
    biota = lax.iota(jnp.int32, 16)

    def gather(p, slot):
        pltpu.async_copy(table_hbm.at[idx_v.at[p]], grows.at[slot],
                         gsem.at[slot])

    def store(p, slot):
        return pltpu.make_async_copy(
            tbuf.at[slot], out_hbm.at[p, :, pl.ds(b0, _BW)], ssem.at[slot])

    for p0 in range(_NBUF):
        gather(p0, p0)

    def step(p, carry):
        slot = lax.rem(p, _NBUF)

        @pl.when(p >= _NBUF)
        def _():
            store(p - _NBUF, slot).wait()

        pltpu.make_async_copy(table_hbm.at[idx_v.at[p]], grows.at[slot],
                              gsem.at[slot]).wait()

        pvec = jnp.full((16,), 0, jnp.int32) + p

        @plsc.parallel_loop(0, _EMBED, unroll=8)
        def col(e):
            evec = jnp.full((16,), 0, jnp.int32) + e
            pe = plsc.load_gather(pos_v, [pvec, evec])
            for k in range(_BW // 16):
                bvec = biota + (k * 16)
                v = plsc.load_gather(grows.at[slot], [bvec, evec])
                tbuf[slot, e, pl.ds(k * 16, 16)] = v * _SCALE + pe

        store(p, slot).start()

        @pl.when(p + _NBUF < _SEQ)
        def _():
            gather(p + _NBUF, slot)

        return carry

    lax.fori_loop(0, _SEQ, step, 0)

    for r in range(_NBUF):
        p = _SEQ - _NBUF + r
        store(p, p % _NBUF).wait()


@jax.jit
def _run(x, table):
    pos = jnp.asarray(_POS)
    table_p = jnp.pad(table, ((0, 0), (0, _EPAD - _EMBED)))
    x_r = jnp.swapaxes(
        jnp.reshape(x.astype(jnp.int32), (_NW, _BW, _SEQ)), 1, 2)
    fn = pl.kernel(
        _body,
        out_type=jax.ShapeDtypeStruct((_SEQ, _EMBED, _BATCH), jnp.float32),
        mesh=plsc.VectorSubcoreMesh(
            core_axis_name="c", subcore_axis_name="s",
            num_cores=_NC, num_subcores=_NS,
        ),
        scratch_types=[
            pltpu.VMEM((_SEQ, _BW), jnp.int32),
            pltpu.VMEM((_SEQ, _EMBED), jnp.float32),
            pltpu.VMEM((_NBUF, _BW, _EPAD), jnp.float32),
            pltpu.VMEM((_NBUF, _EMBED, _BW), jnp.float32),
            pltpu.SemaphoreType.DMA((_NBUF,)),
            pltpu.SemaphoreType.DMA((_NBUF,)),
        ],
        compiler_params=pltpu.CompilerParams(
            use_tc_tiling_on_sc=False, needs_layout_passes=False),
    )
    out_t = fn(x_r, pos, table_p)
    return jnp.transpose(out_t, (2, 0, 1))


def kernel(x, table):
    return _run(x, table)

# --- scband reference (transcript-rebuilt; emitter-appended) ---
"""Pipeline reference for scband-positional-encoding-33715493274256 (READ-ONLY COPY).

The authoritative reference and input builder live on the scoring server;
editing this copy changes nothing except your own understanding.
"""

import jax, jax.numpy as jnp
import numpy as np

VOCAB = 1000000
EMBED = 64
WINDOW = 200
BATCH = 4096
SEQ = 200

def positional_encoding(length, depth):
    depth_h = depth / 2
    positions = np.arange(length)[:, np.newaxis]
    depths = np.arange(depth_h)[np.newaxis, :] / depth_h
    angle_rates = 1 / 10000 ** depths
    angle_rads = positions * angle_rates
    pos_encoding = np.concatenate([np.sin(angle_rads), np.cos(angle_rads)], axis=-1)
    return jnp.asarray(pos_encoding, dtype=jnp.float32)

def setup_inputs(seed: int = 0) -> dict:
    key = jax.random.key(seed)
    k1, k2 = jax.random.split(key)
    x = jax.random.randint(k1, (BATCH, SEQ), 0, VOCAB, dtype=jnp.int64 if jax.config.jax_enable_x64 else jnp.int32)
    table = jax.random.normal(k2, (VOCAB, EMBED), dtype=jnp.float32) * 0.02
    return {"x": x, "table": table}

def reference(x, table):
    pos_enc = positional_encoding(WINDOW, EMBED)[jnp.newaxis, :WINDOW, :]
    length = x.shape[1]
    emb = jnp.take(table, x, axis=0)
    emb = emb * jnp.sqrt(jnp.asarray(EMBED, dtype=jnp.float32))
    emb = emb + pos_enc[:, :length, :]
    return emb

if __name__ == "__main__":
    import jax
    _d = setup_inputs()
    print(jax.jit(kernel)(*tuple(_d.values())))

</pallas_src>

<mosaic_0001>
#map = affine_map<(d0, d1) -> (0, 0, 0)>
#map1 = affine_map<(d0, d1) -> (0, 0)>
module attributes {stable_mosaic.version = 14 : i64} {
  func.func @_body(%arg0: i32, %arg1: i32, %arg2: memref<32x200x128xi32, #tpu.memory_space<hbm>>, %arg3: memref<200x64xf32, #tpu.memory_space<hbm>>, %arg4: memref<1000000x72xf32, #tpu.memory_space<hbm>>, %arg5: memref<200x64x4096xf32, #tpu.memory_space<hbm>>, %arg6: memref<200x128xi32, #tpu.memory_space<vmem>>, %arg7: memref<200x64xf32, #tpu.memory_space<vmem>>, %arg8: memref<2x128x72xf32, #tpu.memory_space<vmem>>, %arg9: memref<2x64x128xf32, #tpu.memory_space<vmem>>, %arg10: memref<2x!tpu.dma_semaphore, #tpu.memory_space<semaphore_mem>>, %arg11: memref<2x!tpu.dma_semaphore, #tpu.memory_space<semaphore_mem>>) attributes {dimension_semantics = [#tpu.dimension_semantics<core_parallel>, #tpu.dimension_semantics<subcore_parallel>], iteration_bounds = array<i64: 2, 16>, scalar_prefetch = 0 : i64, scratch_operands = 6 : i64, tpu.core_type = #tpu.core_type<sc_vector_subcore>, window_params = [{transform_indices = #map}, {transform_indices = #map1}, {transform_indices = #map1}, {transform_indices = #map}]} {
    %mul3A = arith.constant 2 : i32
    %mul3A_0 = arith.muli %arg1, %mul3A : i32
    %add3A = arith.addi %mul3A_0, %arg0 : i32
    %mul3A_1 = arith.constant 128 : i32
    %mul3A_2 = arith.muli %add3A, %mul3A_1 : i32
    "tpu.region"() ({
      %run_scoped3A = tpu.sem_alloc : memref<!tpu.dma_semaphore, #tpu.memory_space<semaphore_mem>>
      %dma_start3A_74 = arith.constant 0 : i32
      %dma_start3A_75 = arith.constant 0 : i32
      %dma_start3A_76 = tpu.memref_slice %arg2[%add3A, %dma_start3A_74, %dma_start3A_75] : memref<32x200x128xi32, #tpu.memory_space<hbm>> -> memref<1x200x128xi32, #tpu.memory_space<hbm>>
      %dma_start3A_77 = tpu.memref_squeeze %dma_start3A_76 : memref<1x200x128xi32, #tpu.memory_space<hbm>> -> memref<200x128xi32, #tpu.memory_space<hbm>>
      %dma_start3A_78 = arith.constant 0 : i32
      %dma_start3A_79 = arith.constant 0 : i32
      %dma_start3A_80 = tpu.memref_slice %arg2[%add3A, %dma_start3A_78, %dma_start3A_79] : memref<32x200x128xi32, #tpu.memory_space<hbm>> -> memref<1x200x128xi32, #tpu.memory_space<hbm>>
      %dma_start3A_81 = tpu.memref_squeeze %dma_start3A_80 : memref<1x200x128xi32, #tpu.memory_space<hbm>> -> memref<200x128xi32, #tpu.memory_space<hbm>>
      tpu.enqueue_dma source(%dma_start3A_81 : memref<200x128xi32, #tpu.memory_space<hbm>>) target(%arg6 : memref<200x128xi32, #tpu.memory_space<vmem>>) target_semaphore(%run_scoped3A : memref<!tpu.dma_semaphore, #tpu.memory_space<semaphore_mem>>)
      %dma_wait3A_82 = arith.constant 0 : i32
      %dma_wait3A_83 = arith.constant 0 : i32
      %dma_wait3A_84 = tpu.memref_slice %arg2[%add3A, %dma_wait3A_82, %dma_wait3A_83] : memref<32x200x128xi32, #tpu.memory_space<hbm>> -> memref<1x200x128xi32, #tpu.memory_space<hbm>>
      %dma_wait3A_85 = tpu.memref_squeeze %dma_wait3A_84 : memref<1x200x128xi32, #tpu.memory_space<hbm>> -> memref<200x128xi32, #tpu.memory_space<hbm>>
      %dma_wait3A_86 = arith.constant 0 : i32
      %dma_wait3A_87 = arith.constant 0 : i32
      %dma_wait3A_88 = tpu.memref_slice %arg2[%add3A, %dma_wait3A_86, %dma_wait3A_87] : memref<32x200x128xi32, #tpu.memory_space<hbm>> -> memref<1x200x128xi32, #tpu.memory_space<hbm>>
      %dma_wait3A_89 = tpu.memref_squeeze %dma_wait3A_88 : memref<1x200x128xi32, #tpu.memory_space<hbm>> -> memref<200x128xi32, #tpu.memory_space<hbm>>
      tpu.wait_dma2 semaphore(%run_scoped3A : memref<!tpu.dma_semaphore, #tpu.memory_space<semaphore_mem>>) src(%dma_wait3A_89 : memref<200x128xi32, #tpu.memory_space<hbm>>) dst(%arg6 : memref<200x128xi32, #tpu.memory_space<vmem>>)
      tpu.yield
    }) : () -> ()
    "tpu.region"() ({
      %run_scoped3A = tpu.sem_alloc : memref<!tpu.dma_semaphore, #tpu.memory_space<semaphore_mem>>
      tpu.enqueue_dma source(%arg3 : memref<200x64xf32, #tpu.memory_space<hbm>>) target(%arg7 : memref<200x64xf32, #tpu.memory_space<vmem>>) target_semaphore(%run_scoped3A : memref<!tpu.dma_semaphore, #tpu.memory_space<semaphore_mem>>)
      tpu.wait_dma2 semaphore(%run_scoped3A : memref<!tpu.dma_semaphore, #tpu.memory_space<semaphore_mem>>) src(%arg3 : memref<200x64xf32, #tpu.memory_space<hbm>>) dst(%arg7 : memref<200x64xf32, #tpu.memory_space<vmem>>)
      tpu.yield
    }) : () -> ()
    %iota3A = tpu.iota {dimensions = array<i32: 0>} : vector<16xi32>
    %dma_start3A = arith.constant 0 : i32
    %dma_start3A_3 = arith.constant 0 : i32
    %dma_start3A_4 = arith.constant 0 : i32
    %dma_start3A_5 = arith.constant 0 : i32
    %dma_start3A_6 = arith.constant 0 : i32
    %dma_start3A_7 = tpu.memref_slice %arg8[%dma_start3A_3, %dma_start3A_5, %dma_start3A_6] : memref<2x128x72xf32, #tpu.memory_space<vmem>> -> memref<1x128x72xf32, #tpu.memory_space<vmem>>
    %dma_start3A_8 = tpu.memref_squeeze %dma_start3A_7 : memref<1x128x72xf32, #tpu.memory_space<vmem>> -> memref<128x72xf32, #tpu.memory_space<vmem>>
    %dma_start3A_9 = arith.constant 0 : i32
    %dma_start3A_10 = tpu.memref_slice %arg6[%dma_start3A, %dma_start3A_9] : memref<200x128xi32, #tpu.memory_space<vmem>> -> memref<1x128xi32, #tpu.memory_space<vmem>>
    %dma_start3A_11 = tpu.memref_squeeze %dma_start3A_10 : memref<1x128xi32, #tpu.memory_space<vmem>> -> memref<128xi32, #tpu.memory_space<vmem>>
    %dma_start3A_12 = arith.constant 0 : i32
    %dma_start3A_13 = arith.constant 0 : i32
    %dma_start3A_14 = tpu.memref_slice %arg4[%dma_start3A_12, %dma_start3A_13] : memref<1000000x72xf32, #tpu.memory_space<hbm>> -> memref<1000000x72xf32, #tpu.memory_space<hbm>>
    %dma_start3A_15 = tpu.memref_slice %arg10[%dma_start3A_4] : memref<2x!tpu.dma_semaphore, #tpu.memory_space<semaphore_mem>> -> memref<1x!tpu.dma_semaphore, #tpu.memory_space<semaphore_mem>>
    %dma_start3A_16 = tpu.memref_squeeze %dma_start3A_15 : memref<1x!tpu.dma_semaphore, #tpu.memory_space<semaphore_mem>> -> memref<!tpu.dma_semaphore, #tpu.memory_space<semaphore_mem>>
    tpu.enqueue_indirect_dma source(%dma_start3A_14 : memref<1000000x72xf32, #tpu.memory_space<hbm>>) target(%dma_start3A_8 : memref<128x72xf32, #tpu.memory_space<vmem>>) offsets(%dma_start3A_11 : memref<128xi32, #tpu.memory_space<vmem>>) semaphore(%dma_start3A_16 : memref<!tpu.dma_semaphore, #tpu.memory_space<semaphore_mem>>)
    %dma_start3A_17 = arith.constant 1 : i32
    %dma_start3A_18 = arith.constant 1 : i32
    %dma_start3A_19 = arith.constant 1 : i32
    %dma_start3A_20 = arith.constant 0 : i32
    %dma_start3A_21 = arith.constant 0 : i32
    %dma_start3A_22 = tpu.memref_slice %arg8[%dma_start3A_18, %dma_start3A_20, %dma_start3A_21] : memref<2x128x72xf32, #tpu.memory_space<vmem>> -> memref<1x128x72xf32, #tpu.memory_space<vmem>>
    %dma_start3A_23 = tpu.memref_squeeze %dma_start3A_22 : memref<1x128x72xf32, #tpu.memory_space<vmem>> -> memref<128x72xf32, #tpu.memory_space<vmem>>
    %dma_start3A_24 = arith.constant 0 : i32
    %dma_start3A_25 = tpu.memref_slice %arg6[%dma_start3A_17, %dma_start3A_24] : memref<200x128xi32, #tpu.memory_space<vmem>> -> memref<1x128xi32, #tpu.memory_space<vmem>>
    %dma_start3A_26 = tpu.memref_squeeze %dma_start3A_25 : memref<1x128xi32, #tpu.memory_space<vmem>> -> memref<128xi32, #tpu.memory_space<vmem>>
    %dma_start3A_27 = arith.constant 0 : i32
    %dma_start3A_28 = arith.constant 0 : i32
    %dma_start3A_29 = tpu.memref_slice %arg4[%dma_start3A_27, %dma_start3A_28] : memref<1000000x72xf32, #tpu.memory_space<hbm>> -> memref<1000000x72xf32, #tpu.memory_space<hbm>>
    %dma_start3A_30 = tpu.memref_slice %arg10[%dma_start3A_19] : memref<2x!tpu.dma_semaphore, #tpu.memory_space<semaphore_mem>> -> memref<1x!tpu.dma_semaphore, #tpu.memory_space<semaphore_mem>>
    %dma_start3A_31 = tpu.memref_squeeze %dma_start3A_30 : memref<1x!tpu.dma_semaphore, #tpu.memory_space<semaphore_mem>> -> memref<!tpu.dma_semaphore, #tpu.memory_space<semaphore_mem>>
    tpu.enqueue_indirect_dma source(%dma_start3A_29 : memref<1000000x72xf32, #tpu.memory_space<hbm>>) target(%dma_start3A_23 : memref<128x72xf32, #tpu.memory_space<vmem>>) offsets(%dma_start3A_26 : memref<128xi32, #tpu.memory_space<vmem>>) semaphore(%dma_start3A_31 : memref<!tpu.dma_semaphore, #tpu.memory_space<semaphore_mem>>)
    %scan3A = arith.constant 0 : i32
    %scan3A_32 = arith.constant 0 : i32
    %scan3A_33 = arith.constant 200 : i32
    %scan3A_34 = arith.addi %scan3A_32, %scan3A_33 : i32
    %scan3A_35 = arith.constant 1 : i32
    scf.for %scan3A_74 = %scan3A_32 to %scan3A_34 step %scan3A_35  : i32 {
      %rem3A = arith.constant 2 : i32
      %rem3A_75 = arith.remsi %scan3A_74, %rem3A : i32
      %ge3A = arith.constant 2 : i32
      %ge3A_76 = arith.cmpi sge, %scan3A_74, %ge3A : i32
      %convert_element_type3A = arith.extui %ge3A_76 : i1 to i32
      %cond3A = arith.constant 0 : i32
      %cond3A_77 = arith.cmpi ne, %convert_element_type3A, %cond3A : i32
      scf.if %cond3A_77 {
        %sub3A = arith.constant 2 : i32
        %sub3A_117 = arith.subi %scan3A_74, %sub3A : i32
        %dma_wait3A_118 = arith.constant 0 : i32
        %dma_wait3A_119 = arith.constant 0 : i32
        %dma_wait3A_120 = tpu.memref_slice %arg9[%rem3A_75, %dma_wait3A_118, %dma_wait3A_119] : memref<2x64x128xf32, #tpu.memory_space<vmem>> -> memref<1x64x128xf32, #tpu.memory_space<vmem>>
        %dma_wait3A_121 = tpu.memref_squeeze %dma_wait3A_120 : memref<1x64x128xf32, #tpu.memory_space<vmem>> -> memref<64x128xf32, #tpu.memory_space<vmem>>
        %dma_wait3A_122 = arith.constant 0 : i32
        %dma_wait3A_123 = tpu.memref_slice %arg5[%sub3A_117, %dma_wait3A_122, %mul3A_2] : memref<200x64x4096xf32, #tpu.memory_space<hbm>> -> memref<1x64x128xf32, #tpu.memory_space<hbm>>
        %dma_wait3A_124 = tpu.memref_squeeze %dma_wait3A_123 : memref<1x64x128xf32, #tpu.memory_space<hbm>> -> memref<64x128xf32, #tpu.memory_space<hbm>>
        %dma_wait3A_125 = tpu.memref_slice %arg11[%rem3A_75] : memref<2x!tpu.dma_semaphore, #tpu.memory_space<semaphore_mem>> -> memref<1x!tpu.dma_semaphore, #tpu.memory_space<semaphore_mem>>
        %dma_wait3A_126 = tpu.memref_squeeze %dma_wait3A_125 : memref<1x!tpu.dma_semaphore, #tpu.memory_space<semaphore_mem>> -> memref<!tpu.dma_semaphore, #tpu.memory_space<semaphore_mem>>
        %dma_wait3A_127 = arith.constant 0 : i32
        %dma_wait3A_128 = tpu.memref_slice %arg5[%sub3A_117, %dma_wait3A_127, %mul3A_2] : memref<200x64x4096xf32, #tpu.memory_space<hbm>> -> memref<1x64x128xf32, #tpu.memory_space<hbm>>
        %dma_wait3A_129 = tpu.memref_squeeze %dma_wait3A_128 : memref<1x64x128xf32, #tpu.memory_space<hbm>> -> memref<64x128xf32, #tpu.memory_space<hbm>>
        %dma_wait3A_130 = arith.constant 0 : i32
        %dma_wait3A_131 = arith.constant 0 : i32
        %dma_wait3A_132 = tpu.memref_slice %arg9[%rem3A_75, %dma_wait3A_130, %dma_wait3A_131] : memref<2x64x128xf32, #tpu.memory_space<vmem>> -> memref<1x64x128xf32, #tpu.memory_space<vmem>>
        %dma_wait3A_133 = tpu.memref_squeeze %dma_wait3A_132 : memref<1x64x128xf32, #tpu.memory_space<vmem>> -> memref<64x128xf32, #tpu.memory_space<vmem>>
        tpu.wait_dma2 semaphore(%dma_wait3A_126 : memref<!tpu.dma_semaphore, #tpu.memory_space<semaphore_mem>>) src(%dma_wait3A_133 : memref<64x128xf32, #tpu.memory_space<vmem>>) dst(%dma_wait3A_129 : memref<64x128xf32, #tpu.memory_space<hbm>>)
      } else {
      }
      %dma_wait3A_78 = arith.constant 0 : i32
      %dma_wait3A_79 = arith.constant 0 : i32
      %dma_wait3A_80 = tpu.memref_slice %arg8[%rem3A_75, %dma_wait3A_78, %dma_wait3A_79] : memref<2x128x72xf32, #tpu.memory_space<vmem>> -> memref<1x128x72xf32, #tpu.memory_space<vmem>>
      %dma_wait3A_81 = tpu.memref_squeeze %dma_wait3A_80 : memref<1x128x72xf32, #tpu.memory_space<vmem>> -> memref<128x72xf32, #tpu.memory_space<vmem>>
      %dma_wait3A_82 = arith.constant 0 : i32
      %dma_wait3A_83 = tpu.memref_slice %arg6[%scan3A_74, %dma_wait3A_82] : memref<200x128xi32, #tpu.memory_space<vmem>> -> memref<1x128xi32, #tpu.memory_space<vmem>>
      %dma_wait3A_84 = tpu.memref_squeeze %dma_wait3A_83 : memref<1x128xi32, #tpu.memory_space<vmem>> -> memref<128xi32, #tpu.memory_space<vmem>>
      %dma_wait3A_85 = arith.constant 0 : i32
      %dma_wait3A_86 = arith.constant 0 : i32
      %dma_wait3A_87 = tpu.memref_slice %arg4[%dma_wait3A_85, %dma_wait3A_86] : memref<1000000x72xf32, #tpu.memory_space<hbm>> -> memref<1000000x72xf32, #tpu.memory_space<hbm>>
      %dma_wait3A_88 = tpu.memref_slice %arg10[%rem3A_75] : memref<2x!tpu.dma_semaphore, #tpu.memory_space<semaphore_mem>> -> memref<1x!tpu.dma_semaphore, #tpu.memory_space<semaphore_mem>>
      %dma_wait3A_89 = tpu.memref_squeeze %dma_wait3A_88 : memref<1x!tpu.dma_semaphore, #tpu.memory_space<semaphore_mem>> -> memref<!tpu.dma_semaphore, #tpu.memory_space<semaphore_mem>>
      tpu.wait_indirect_dma semaphore(%dma_wait3A_89 : memref<!tpu.dma_semaphore, #tpu.memory_space<semaphore_mem>>) src(%dma_wait3A_87 : memref<1000000x72xf32, #tpu.memory_space<hbm>>) dst(%dma_wait3A_81 : memref<128x72xf32, #tpu.memory_space<vmem>>)
      %broadcast_in_dim3A = arith.constant 0 : i32
      %broadcast_in_dim3A_90 = vector.broadcast %broadcast_in_dim3A : i32 to vector<16xi32>
      %add3A_91 = vector.broadcast %scan3A_74 : i32 to vector<16xi32>
      %add3A_92 = arith.addi %broadcast_in_dim3A_90, %add3A_91 : vector<16xi32>
      %parallel_loop3A = arith.constant 0 : i32
      %parallel_loop3A_93 = arith.constant 64 : i32
      %parallel_loop3A_94 = arith.constant 1 : i32
      scf.for %parallel_loop3A_117 = %parallel_loop3A to %parallel_loop3A_93 step %parallel_loop3A_94  : i32 {
        %parallel_loop3A_118 = arith.constant 0 : i32
        %parallel_loop3A_119 = vector.broadcast %parallel_loop3A_118 : i32 to vector<16xi32>
        %parallel_loop3A_120 = vector.broadcast %parallel_loop3A_117 : i32 to vector<16xi32>
        %parallel_loop3A_121 = arith.addi %parallel_loop3A_119, %parallel_loop3A_120 : vector<16xi32>
        %parallel_loop3A_122 = tpu.vector_load_idx %arg7[%add3A_92, %parallel_loop3A_121] : memref<200x64xf32, #tpu.memory_space<vmem>>[vector<16xi32>, vector<16xi32>], vector<16xf32>,
        %parallel_loop3A_123 = arith.constant 0 : i32
        %parallel_loop3A_124 = vector.broadcast %parallel_loop3A_123 : i32 to vector<16xi32>
        %parallel_loop3A_125 = arith.addi %iota3A, %parallel_loop3A_124 : vector<16xi32>
        %parallel_loop3A_126 = arith.constant 0 : i32
        %parallel_loop3A_127 = arith.constant 0 : i32
        %parallel_loop3A_128 = tpu.memref_slice %arg8[%rem3A_75, %parallel_loop3A_126, %parallel_loop3A_127] : memref<2x128x72xf32, #tpu.memory_space<vmem>> -> memref<1x128x72xf32, #tpu.memory_space<vmem>>
        %parallel_loop3A_129 = tpu.memref_squeeze %parallel_loop3A_128 : memref<1x128x72xf32, #tpu.memory_space<vmem>> -> memref<128x72xf32, #tpu.memory_space<vmem>>
        %parallel_loop3A_130 = tpu.vector_load_idx %parallel_loop3A_129[%parallel_loop3A_125, %parallel_loop3A_121] : memref<128x72xf32, #tpu.memory_space<vmem>>[vector<16xi32>, vector<16xi32>], vector<16xf32>,
        %parallel_loop3A_131 = arith.constant 8.000000e+00 : f32
        %parallel_loop3A_132 = vector.broadcast %parallel_loop3A_131 : f32 to vector<16xf32>
        %parallel_loop3A_133 = arith.mulf %parallel_loop3A_130, %parallel_loop3A_132 : vector<16xf32>
        %parallel_loop3A_134 = arith.addf %parallel_loop3A_133, %parallel_loop3A_122 : vector<16xf32>
        %parallel_loop3A_135 = arith.index_cast %rem3A_75 : i32 to index
        %parallel_loop3A_136 = arith.index_cast %parallel_loop3A_117 : i32 to index
        %parallel_loop3A_137 = arith.constant 0 : index
        %parallel_loop3A_138 = tpu.vector_load %arg9[%parallel_loop3A_135, %parallel_loop3A_136, %parallel_loop3A_137] {strides = array<i32>} : memref<2x64x128xf32, #tpu.memory_space<vmem>>, vector<16xf32>,
        tpu.vector_store %arg9[%parallel_loop3A_135, %parallel_loop3A_136, %parallel_loop3A_137], %parallel_loop3A_134 {strides = array<i32>} : memref<2x64x128xf32, #tpu.memory_space<vmem>>, vector<16xf32>,
        %parallel_loop3A_139 = arith.constant 16 : i32
        %parallel_loop3A_140 = vector.broadcast %parallel_loop3A_139 : i32 to vector<16xi32>
        %parallel_loop3A_141 = arith.addi %iota3A, %parallel_loop3A_140 : vector<16xi32>
        %parallel_loop3A_142 = arith.constant 0 : i32
        %parallel_loop3A_143 = arith.constant 0 : i32
        %parallel_loop3A_144 = tpu.memref_slice %arg8[%rem3A_75, %parallel_loop3A_142, %parallel_loop3A_143] : memref<2x128x72xf32, #tpu.memory_space<vmem>> -> memref<1x128x72xf32, #tpu.memory_space<vmem>>
        %parallel_loop3A_145 = tpu.memref_squeeze %parallel_loop3A_144 : memref<1x128x72xf32, #tpu.memory_space<vmem>> -> memref<128x72xf32, #tpu.memory_space<vmem>>
        %parallel_loop3A_146 = tpu.vector_load_idx %parallel_loop3A_145[%parallel_loop3A_141, %parallel_loop3A_121] : memref<128x72xf32, #tpu.memory_space<vmem>>[vector<16xi32>, vector<16xi32>], vector<16xf32>,
        %parallel_loop3A_147 = arith.constant 8.000000e+00 : f32
        %parallel_loop3A_148 = vector.broadcast %parallel_loop3A_147 : f32 to vector<16xf32>
        %parallel_loop3A_149 = arith.mulf %parallel_loop3A_146, %parallel_loop3A_148 : vector<16xf32>
        %parallel_loop3A_150 = arith.addf %parallel_loop3A_149, %parallel_loop3A_122 : vector<16xf32>
        %parallel_loop3A_151 = arith.index_cast %rem3A_75 : i32 to index
        %parallel_loop3A_152 = arith.index_cast %parallel_loop3A_117 : i32 to index
        %parallel_loop3A_153 = arith.constant 16 : index
        %parallel_loop3A_154 = tpu.vector_load %arg9[%parallel_loop3A_151, %parallel_loop3A_152, %parallel_loop3A_153] {strides = array<i32>} : memref<2x64x128xf32, #tpu.memory_space<vmem>>, vector<16xf32>,
        tpu.vector_store %arg9[%parallel_loop3A_151, %parallel_loop3A_152, %parallel_loop3A_153], %parallel_loop3A_150 {strides = array<i32>} : memref<2x64x128xf32, #tpu.memory_space<vmem>>, vector<16xf32>,
        %parallel_loop3A_155 = arith.constant 32 : i32
        %parallel_loop3A_156 = vector.broadcast %parallel_loop3A_155 : i32 to vector<16xi32>
        %parallel_loop3A_157 = arith.addi %iota3A, %parallel_loop3A_156 : vector<16xi32>
        %parallel_loop3A_158 = arith.constant 0 : i32
        %parallel_loop3A_159 = arith.constant 0 : i32
        %parallel_loop3A_160 = tpu.memref_slice %arg8[%rem3A_75, %parallel_loop3A_158, %parallel_loop3A_159] : memref<2x128x72xf32, #tpu.memory_space<vmem>> -> memref<1x128x72xf32, #tpu.memory_space<vmem>>
        %parallel_loop3A_161 = tpu.memref_squeeze %parallel_loop3A_160 : memref<1x128x72xf32, #tpu.memory_space<vmem>> -> memref<128x72xf32, #tpu.memory_space<vmem>>
        %parallel_loop3A_162 = tpu.vector_load_idx %parallel_loop3A_161[%parallel_loop3A_157, %parallel_loop3A_121] : memref<128x72xf32, #tpu.memory_space<vmem>>[vector<16xi32>, vector<16xi32>], vector<16xf32>,
        %parallel_loop3A_163 = arith.constant 8.000000e+00 : f32
        %parallel_loop3A_164 = vector.broadcast %parallel_loop3A_163 : f32 to vector<16xf32>
        %parallel_loop3A_165 = arith.mulf %parallel_loop3A_162, %parallel_loop3A_164 : vector<16xf32>
        %parallel_loop3A_166 = arith.addf %parallel_loop3A_165, %parallel_loop3A_122 : vector<16xf32>
        %parallel_loop3A_167 = arith.index_cast %rem3A_75 : i32 to index
        %parallel_loop3A_168 = arith.index_cast %parallel_loop3A_117 : i32 to index
        %parallel_loop3A_169 = arith.constant 32 : index
        %parallel_loop3A_170 = tpu.vector_load %arg9[%parallel_loop3A_167, %parallel_loop3A_168, %parallel_loop3A_169] {strides = array<i32>} : memref<2x64x128xf32, #tpu.memory_space<vmem>>, vector<16xf32>,
        tpu.vector_store %arg9[%parallel_loop3A_167, %parallel_loop3A_168, %parallel_loop3A_169], %parallel_loop3A_166 {strides = array<i32>} : memref<2x64x128xf32, #tpu.memory_space<vmem>>, vector<16xf32>,
        %parallel_loop3A_171 = arith.constant 48 : i32
        %parallel_loop3A_172 = vector.broadcast %parallel_loop3A_171 : i32 to vector<16xi32>
        %parallel_loop3A_173 = arith.addi %iota3A, %parallel_loop3A_172 : vector<16xi32>
        %parallel_loop3A_174 = arith.constant 0 : i32
        %parallel_loop3A_175 = arith.constant 0 : i32
        %parallel_loop3A_176 = tpu.memref_slice %arg8[%rem3A_75, %parallel_loop3A_174, %parallel_loop3A_175] : memref<2x128x72xf32, #tpu.memory_space<vmem>> -> memref<1x128x72xf32, #tpu.memory_space<vmem>>
        %parallel_loop3A_177 = tpu.memref_squeeze %parallel_loop3A_176 : memref<1x128x72xf32, #tpu.memory_space<vmem>> -> memref<128x72xf32, #tpu.memory_space<vmem>>
        %parallel_loop3A_178 = tpu.vector_load_idx %parallel_loop3A_177[%parallel_loop3A_173, %parallel_loop3A_121] : memref<128x72xf32, #tpu.memory_space<vmem>>[vector<16xi32>, vector<16xi32>], vector<16xf32>,
        %parallel_loop3A_179 = arith.constant 8.000000e+00 : f32
        %parallel_loop3A_180 = vector.broadcast %parallel_loop3A_179 : f32 to vector<16xf32>
        %parallel_loop3A_181 = arith.mulf %parallel_loop3A_178, %parallel_loop3A_180 : vector<16xf32>
        %parallel_loop3A_182 = arith.addf %parallel_loop3A_181, %parallel_loop3A_122 : vector<16xf32>
        %parallel_loop3A_183 = arith.index_cast %rem3A_75 : i32 to index
        %parallel_loop3A_184 = arith.index_cast %parallel_loop3A_117 : i32 to index
        %parallel_loop3A_185 = arith.constant 48 : index
        %parallel_loop3A_186 = tpu.vector_load %arg9[%parallel_loop3A_183, %parallel_loop3A_184, %parallel_loop3A_185] {strides = array<i32>} : memref<2x64x128xf32, #tpu.memory_space<vmem>>, vector<16xf32>,
        tpu.vector_store %arg9[%parallel_loop3A_183, %parallel_loop3A_184, %parallel_loop3A_185], %parallel_loop3A_182 {strides = array<i32>} : memref<2x64x128xf32, #tpu.memory_space<vmem>>, vector<16xf32>,
        %parallel_loop3A_187 = arith.constant 64 : i32
        %parallel_loop3A_188 = vector.broadcast %parallel_loop3A_187 : i32 to vector<16xi32>
        %parallel_loop3A_189 = arith.addi %iota3A, %parallel_loop3A_188 : vector<16xi32>
        %parallel_loop3A_190 = arith.constant 0 : i32
        %parallel_loop3A_191 = arith.constant 0 : i32
        %parallel_loop3A_192 = tpu.memref_slice %arg8[%rem3A_75, %parallel_loop3A_190, %parallel_loop3A_191] : memref<2x128x72xf32, #tpu.memory_space<vmem>> -> memref<1x128x72xf32, #tpu.memory_space<vmem>>
        %parallel_loop3A_193 = tpu.memref_squeeze %parallel_loop3A_192 : memref<1x128x72xf32, #tpu.memory_space<vmem>> -> memref<128x72xf32, #tpu.memory_space<vmem>>
        %parallel_loop3A_194 = tpu.vector_load_idx %parallel_loop3A_193[%parallel_loop3A_189, %parallel_loop3A_121] : memref<128x72xf32, #tpu.memory_space<vmem>>[vector<16xi32>, vector<16xi32>], vector<16xf32>,
        %parallel_loop3A_195 = arith.constant 8.000000e+00 : f32
        %parallel_loop3A_196 = vector.broadcast %parallel_loop3A_195 : f32 to vector<16xf32>
        %parallel_loop3A_197 = arith.mulf %parallel_loop3A_194, %parallel_loop3A_196 : vector<16xf32>
        %parallel_loop3A_198 = arith.addf %parallel_loop3A_197, %parallel_loop3A_122 : vector<16xf32>
        %parallel_loop3A_199 = arith.index_cast %rem3A_75 : i32 to index
        %parallel_loop3A_200 = arith.index_cast %parallel_loop3A_117 : i32 to index
        %parallel_loop3A_201 = arith.constant 64 : index
        %parallel_loop3A_202 = tpu.vector_load %arg9[%parallel_loop3A_199, %parallel_loop3A_200, %parallel_loop3A_201] {strides = array<i32>} : memref<2x64x128xf32, #tpu.memory_space<vmem>>, vector<16xf32>,
        tpu.vector_store %arg9[%parallel_loop3A_199, %parallel_loop3A_200, %parallel_loop3A_201], %parallel_loop3A_198 {strides = array<i32>} : memref<2x64x128xf32, #tpu.memory_space<vmem>>, vector<16xf32>,
        %parallel_loop3A_203 = arith.constant 80 : i32
        %parallel_loop3A_204 = vector.broadcast %parallel_loop3A_203 : i32 to vector<16xi32>
        %parallel_loop3A_205 = arith.addi %iota3A, %parallel_loop3A_204 : vector<16xi32>
        %parallel_loop3A_206 = arith.constant 0 : i32
        %parallel_loop3A_207 = arith.constant 0 : i32
        %parallel_loop3A_208 = tpu.memref_slice %arg8[%rem3A_75, %parallel_loop3A_206, %parallel_loop3A_207] : memref<2x128x72xf32, #tpu.memory_space<vmem>> -> memref<1x128x72xf32, #tpu.memory_space<vmem>>
        %parallel_loop3A_209 = tpu.memref_squeeze %parallel_loop3A_208 : memref<1x128x72xf32, #tpu.memory_space<vmem>> -> memref<128x72xf32, #tpu.memory_space<vmem>>
        %parallel_loop3A_210 = tpu.vector_load_idx %parallel_loop3A_209[%parallel_loop3A_205, %parallel_loop3A_121] : memref<128x72xf32, #tpu.memory_space<vmem>>[vector<16xi32>, vector<16xi32>], vector<16xf32>,
        %parallel_loop3A_211 = arith.constant 8.000000e+00 : f32
        %parallel_loop3A_212 = vector.broadcast %parallel_loop3A_211 : f32 to vector<16xf32>
        %parallel_loop3A_213 = arith.mulf %parallel_loop3A_210, %parallel_loop3A_212 : vector<16xf32>
        %parallel_loop3A_214 = arith.addf %parallel_loop3A_213, %parallel_loop3A_122 : vector<16xf32>
        %parallel_loop3A_215 = arith.index_cast %rem3A_75 : i32 to index
        %parallel_loop3A_216 = arith.index_cast %parallel_loop3A_117 : i32 to index
        %parallel_loop3A_217 = arith.constant 80 : index
        %parallel_loop3A_218 = tpu.vector_load %arg9[%parallel_loop3A_215, %parallel_loop3A_216, %parallel_loop3A_217] {strides = array<i32>} : memref<2x64x128xf32, #tpu.memory_space<vmem>>, vector<16xf32>,
        tpu.vector_store %arg9[%parallel_loop3A_215, %parallel_loop3A_216, %parallel_loop3A_217], %parallel_loop3A_214 {strides = array<i32>} : memref<2x64x128xf32, #tpu.memory_space<vmem>>, vector<16xf32>,
        %parallel_loop3A_219 = arith.constant 96 : i32
        %parallel_loop3A_220 = vector.broadcast %parallel_loop3A_219 : i32 to vector<16xi32>
        %parallel_loop3A_221 = arith.addi %iota3A, %parallel_loop3A_220 : vector<16xi32>
        %parallel_loop3A_222 = arith.constant 0 : i32
        %parallel_loop3A_223 = arith.constant 0 : i32
        %parallel_loop3A_224 = tpu.memref_slice %arg8[%rem3A_75, %parallel_loop3A_222, %parallel_loop3A_223] : memref<2x128x72xf32, #tpu.memory_space<vmem>> -> memref<1x128x72xf32, #tpu.memory_space<vmem>>
        %parallel_loop3A_225 = tpu.memref_squeeze %parallel_loop3A_224 : memref<1x128x72xf32, #tpu.memory_space<vmem>> -> memref<128x72xf32, #tpu.memory_space<vmem>>
        %parallel_loop3A_226 = tpu.vector_load_idx %parallel_loop3A_225[%parallel_loop3A_221, %parallel_loop3A_121] : memref<128x72xf32, #tpu.memory_space<vmem>>[vector<16xi32>, vector<16xi32>], vector<16xf32>,
        %parallel_loop3A_227 = arith.constant 8.000000e+00 : f32
        %parallel_loop3A_228 = vector.broadcast %parallel_loop3A_227 : f32 to vector<16xf32>
        %parallel_loop3A_229 = arith.mulf %parallel_loop3A_226, %parallel_loop3A_228 : vector<16xf32>
        %parallel_loop3A_230 = arith.addf %parallel_loop3A_229, %parallel_loop3A_122 : vector<16xf32>
        %parallel_loop3A_231 = arith.index_cast %rem3A_75 : i32 to index
        %parallel_loop3A_232 = arith.index_cast %parallel_loop3A_117 : i32 to index
        %parallel_loop3A_233 = arith.constant 96 : index
        %parallel_loop3A_234 = tpu.vector_load %arg9[%parallel_loop3A_231, %parallel_loop3A_232, %parallel_loop3A_233] {strides = array<i32>} : memref<2x64x128xf32, #tpu.memory_space<vmem>>, vector<16xf32>,
        tpu.vector_store %arg9[%parallel_loop3A_231, %parallel_loop3A_232, %parallel_loop3A_233], %parallel_loop3A_230 {strides = array<i32>} : memref<2x64x128xf32, #tpu.memory_space<vmem>>, vector<16xf32>,
        %parallel_loop3A_235 = arith.constant 112 : i32
        %parallel_loop3A_236 = vector.broadcast %parallel_loop3A_235 : i32 to vector<16xi32>
        %parallel_loop3A_237 = arith.addi %iota3A, %parallel_loop3A_236 : vector<16xi32>
        %parallel_loop3A_238 = arith.constant 0 : i32
        %parallel_loop3A_239 = arith.constant 0 : i32
        %parallel_loop3A_240 = tpu.memref_slice %arg8[%rem3A_75, %parallel_loop3A_238, %parallel_loop3A_239] : memref<2x128x72xf32, #tpu.memory_space<vmem>> -> memref<1x128x72xf32, #tpu.memory_space<vmem>>
        %parallel_loop3A_241 = tpu.memref_squeeze %parallel_loop3A_240 : memref<1x128x72xf32, #tpu.memory_space<vmem>> -> memref<128x72xf32, #tpu.memory_space<vmem>>
        %parallel_loop3A_242 = tpu.vector_load_idx %parallel_loop3A_241[%parallel_loop3A_237, %parallel_loop3A_121] : memref<128x72xf32, #tpu.memory_space<vmem>>[vector<16xi32>, vector<16xi32>], vector<16xf32>,
        %parallel_loop3A_243 = arith.constant 8.000000e+00 : f32
        %parallel_loop3A_244 = vector.broadcast %parallel_loop3A_243 : f32 to vector<16xf32>
        %parallel_loop3A_245 = arith.mulf %parallel_loop3A_242, %parallel_loop3A_244 : vector<16xf32>
        %parallel_loop3A_246 = arith.addf %parallel_loop3A_245, %parallel_loop3A_122 : vector<16xf32>
        %parallel_loop3A_247 = arith.index_cast %rem3A_75 : i32 to index
        %parallel_loop3A_248 = arith.index_cast %parallel_loop3A_117 : i32 to index
        %parallel_loop3A_249 = arith.constant 112 : index
        %parallel_loop3A_250 = tpu.vector_load %arg9[%parallel_loop3A_247, %parallel_loop3A_248, %parallel_loop3A_249] {strides = array<i32>} : memref<2x64x128xf32, #tpu.memory_space<vmem>>, vector<16xf32>,
        tpu.vector_store %arg9[%parallel_loop3A_247, %parallel_loop3A_248, %parallel_loop3A_249], %parallel_loop3A_246 {strides = array<i32>} : memref<2x64x128xf32, #tpu.memory_space<vmem>>, vector<16xf32>,
      } {sc.loop_unroll_factor = 8 : i64, sc.parallel_access}
      %dma_start3A_95 = arith.constant 0 : i32
      %dma_start3A_96 = arith.constant 0 : i32
      %dma_start3A_97 = tpu.memref_slice %arg9[%rem3A_75, %dma_start3A_95, %dma_start3A_96] : memref<2x64x128xf32, #tpu.memory_space<vmem>> -> memref<1x64x128xf32, #tpu.memory_space<vmem>>
      %dma_start3A_98 = tpu.memref_squeeze %dma_start3A_97 : memref<1x64x128xf32, #tpu.memory_space<vmem>> -> memref<64x128xf32, #tpu.memory_space<vmem>>
      %dma_start3A_99 = arith.constant 0 : i32
      %dma_start3A_100 = tpu.memref_slice %arg5[%scan3A_74, %dma_start3A_99, %mul3A_2] : memref<200x64x4096xf32, #tpu.memory_space<hbm>> -> memref<1x64x128xf32, #tpu.memory_space<hbm>>
      %dma_start3A_101 = tpu.memref_squeeze %dma_start3A_100 : memref<1x64x128xf32, #tpu.memory_space<hbm>> -> memref<64x128xf32, #tpu.memory_space<hbm>>
      %dma_start3A_102 = tpu.memref_slice %arg11[%rem3A_75] : memref<2x!tpu.dma_semaphore, #tpu.memory_space<semaphore_mem>> -> memref<1x!tpu.dma_semaphore, #tpu.memory_space<semaphore_mem>>
      %dma_start3A_103 = tpu.memref_squeeze %dma_start3A_102 : memref<1x!tpu.dma_semaphore, #tpu.memory_space<semaphore_mem>> -> memref<!tpu.dma_semaphore, #tpu.memory_space<semaphore_mem>>
      %dma_start3A_104 = arith.constant 0 : i32
      %dma_start3A_105 = tpu.memref_slice %arg5[%scan3A_74, %dma_start3A_104, %mul3A_2] : memref<200x64x4096xf32, #tpu.memory_space<hbm>> -> memref<1x64x128xf32, #tpu.memory_space<hbm>>
      %dma_start3A_106 = tpu.memref_squeeze %dma_start3A_105 : memref<1x64x128xf32, #tpu.memory_space<hbm>> -> memref<64x128xf32, #tpu.memory_space<hbm>>
      %dma_start3A_107 = arith.constant 0 : i32
      %dma_start3A_108 = arith.constant 0 : i32
      %dma_start3A_109 = tpu.memref_slice %arg9[%rem3A_75, %dma_start3A_107, %dma_start3A_108] : memref<2x64x128xf32, #tpu.memory_space<vmem>> -> memref<1x64x128xf32, #tpu.memory_space<vmem>>
      %dma_start3A_110 = tpu.memref_squeeze %dma_start3A_109 : memref<1x64x128xf32, #tpu.memory_space<vmem>> -> memref<64x128xf32, #tpu.memory_space<vmem>>
      tpu.enqueue_dma source(%dma_start3A_110 : memref<64x128xf32, #tpu.memory_space<vmem>>) target(%dma_start3A_106 : memref<64x128xf32, #tpu.memory_space<hbm>>) target_semaphore(%dma_start3A_103 : memref<!tpu.dma_semaphore, #tpu.memory_space<semaphore_mem>>)
      %add3A_111 = arith.constant 2 : i32
      %add3A_112 = arith.addi %scan3A_74, %add3A_111 : i32
      %lt3A = arith.constant 200 : i32
      %lt3A_113 = arith.cmpi slt, %add3A_112, %lt3A : i32
      %convert_element_type3A_114 = arith.extui %lt3A_113 : i1 to i32
      %cond3A_115 = arith.constant 0 : i32
      %cond3A_116 = arith.cmpi ne, %convert_element_type3A_114, %cond3A_115 : i32
      scf.if %cond3A_116 {
        %add3A_117 = arith.constant 2 : i32
        %add3A_118 = arith.addi %scan3A_74, %add3A_117 : i32
        %dma_start3A_119 = arith.constant 0 : i32
        %dma_start3A_120 = arith.constant 0 : i32
        %dma_start3A_121 = tpu.memref_slice %arg8[%rem3A_75, %dma_start3A_119, %dma_start3A_120] : memref<2x128x72xf32, #tpu.memory_space<vmem>> -> memref<1x128x72xf32, #tpu.memory_space<vmem>>
        %dma_start3A_122 = tpu.memref_squeeze %dma_start3A_121 : memref<1x128x72xf32, #tpu.memory_space<vmem>> -> memref<128x72xf32, #tpu.memory_space<vmem>>
        %dma_start3A_123 = arith.constant 0 : i32
        %dma_start3A_124 = tpu.memref_slice %arg6[%add3A_118, %dma_start3A_123] : memref<200x128xi32, #tpu.memory_space<vmem>> -> memref<1x128xi32, #tpu.memory_space<vmem>>
        %dma_start3A_125 = tpu.memref_squeeze %dma_start3A_124 : memref<1x128xi32, #tpu.memory_space<vmem>> -> memref<128xi32, #tpu.memory_space<vmem>>
        %dma_start3A_126 = arith.constant 0 : i32
        %dma_start3A_127 = arith.constant 0 : i32
        %dma_start3A_128 = tpu.memref_slice %arg4[%dma_start3A_126, %dma_start3A_127] : memref<1000000x72xf32, #tpu.memory_space<hbm>> -> memref<1000000x72xf32, #tpu.memory_space<hbm>>
        %dma_start3A_129 = tpu.memref_slice %arg10[%rem3A_75] : memref<2x!tpu.dma_semaphore, #tpu.memory_space<semaphore_mem>> -> memref<1x!tpu.dma_semaphore, #tpu.memory_space<semaphore_mem>>
        %dma_start3A_130 = tpu.memref_squeeze %dma_start3A_129 : memref<1x!tpu.dma_semaphore, #tpu.memory_space<semaphore_mem>> -> memref<!tpu.dma_semaphore, #tpu.memory_space<semaphore_mem>>
        tpu.enqueue_indirect_dma source(%dma_start3A_128 : memref<1000000x72xf32, #tpu.memory_space<hbm>>) target(%dma_start3A_122 : memref<128x72xf32, #tpu.memory_space<vmem>>) offsets(%dma_start3A_125 : memref<128xi32, #tpu.memory_space<vmem>>) semaphore(%dma_start3A_130 : memref<!tpu.dma_semaphore, #tpu.memory_space<semaphore_mem>>)
      } else {
      }
    }
    %scan3A_36 = arith.constant 200 : i32
    %dma_wait3A = arith.constant 0 : i32
    %dma_wait3A_37 = arith.constant 198 : i32
    %dma_wait3A_38 = arith.constant 0 : i32
    %dma_wait3A_39 = arith.constant 0 : i32
    %dma_wait3A_40 = arith.constant 0 : i32
    %dma_wait3A_41 = tpu.memref_slice %arg9[%dma_wait3A, %dma_wait3A_39, %dma_wait3A_40] : memref<2x64x128xf32, #tpu.memory_space<vmem>> -> memref<1x64x128xf32, #tpu.memory_space<vmem>>
    %dma_wait3A_42 = tpu.memref_squeeze %dma_wait3A_41 : memref<1x64x128xf32, #tpu.memory_space<vmem>> -> memref<64x128xf32, #tpu.memory_space<vmem>>
    %dma_wait3A_43 = arith.constant 0 : i32
    %dma_wait3A_44 = tpu.memref_slice %arg5[%dma_wait3A_37, %dma_wait3A_43, %mul3A_2] : memref<200x64x4096xf32, #tpu.memory_space<hbm>> -> memref<1x64x128xf32, #tpu.memory_space<hbm>>
    %dma_wait3A_45 = tpu.memref_squeeze %dma_wait3A_44 : memref<1x64x128xf32, #tpu.memory_space<hbm>> -> memref<64x128xf32, #tpu.memory_space<hbm>>
    %dma_wait3A_46 = tpu.memref_slice %arg11[%dma_wait3A_38] : memref<2x!tpu.dma_semaphore, #tpu.memory_space<semaphore_mem>> -> memref<1x!tpu.dma_semaphore, #tpu.memory_space<semaphore_mem>>
    %dma_wait3A_47 = tpu.memref_squeeze %dma_wait3A_46 : memref<1x!tpu.dma_semaphore, #tpu.memory_space<semaphore_mem>> -> memref<!tpu.dma_semaphore, #tpu.memory_space<semaphore_mem>>
    %dma_wait3A_48 = arith.constant 0 : i32
    %dma_wait3A_49 = tpu.memref_slice %arg5[%dma_wait3A_37, %dma_wait3A_48, %mul3A_2] : memref<200x64x4096xf32, #tpu.memory_space<hbm>> -> memref<1x64x128xf32, #tpu.memory_space<hbm>>
    %dma_wait3A_50 = tpu.memref_squeeze %dma_wait3A_49 : memref<1x64x128xf32, #tpu.memory_space<hbm>> -> memref<64x128xf32, #tpu.memory_space<hbm>>
    %dma_wait3A_51 = arith.constant 0 : i32
    %dma_wait3A_52 = arith.constant 0 : i32
    %dma_wait3A_53 = tpu.memref_slice %arg9[%dma_wait3A, %dma_wait3A_51, %dma_wait3A_52] : memref<2x64x128xf32, #tpu.memory_space<vmem>> -> memref<1x64x128xf32, #tpu.memory_space<vmem>>
    %dma_wait3A_54 = tpu.memref_squeeze %dma_wait3A_53 : memref<1x64x128xf32, #tpu.memory_space<vmem>> -> memref<64x128xf32, #tpu.memory_space<vmem>>
    tpu.wait_dma2 semaphore(%dma_wait3A_47 : memref<!tpu.dma_semaphore, #tpu.memory_space<semaphore_mem>>) src(%dma_wait3A_54 : memref<64x128xf32, #tpu.memory_space<vmem>>) dst(%dma_wait3A_50 : memref<64x128xf32, #tpu.memory_space<hbm>>)
    %dma_wait3A_55 = arith.constant 1 : i32
    %dma_wait3A_56 = arith.constant 199 : i32
    %dma_wait3A_57 = arith.constant 1 : i32
    %dma_wait3A_58 = arith.constant 0 : i32
    %dma_wait3A_59 = arith.constant 0 : i32
    %dma_wait3A_60 = tpu.memref_slice %arg9[%dma_wait3A_55, %dma_wait3A_58, %dma_wait3A_59] : memref<2x64x128xf32, #tpu.memory_space<vmem>> -> memref<1x64x128xf32, #tpu.memory_space<vmem>>
    %dma_wait3A_61 = tpu.memref_squeeze %dma_wait3A_60 : memref<1x64x128xf32, #tpu.memory_space<vmem>> -> memref<64x128xf32, #tpu.memory_space<vmem>>
    %dma_wait3A_62 = arith.constant 0 : i32
    %dma_wait3A_63 = tpu.memref_slice %arg5[%dma_wait3A_56, %dma_wait3A_62, %mul3A_2] : memref<200x64x4096xf32, #tpu.memory_space<hbm>> -> memref<1x64x128xf32, #tpu.memory_space<hbm>>
    %dma_wait3A_64 = tpu.memref_squeeze %dma_wait3A_63 : memref<1x64x128xf32, #tpu.memory_space<hbm>> -> memref<64x128xf32, #tpu.memory_space<hbm>>
    %dma_wait3A_65 = tpu.memref_slice %arg11[%dma_wait3A_57] : memref<2x!tpu.dma_semaphore, #tpu.memory_space<semaphore_mem>> -> memref<1x!tpu.dma_semaphore, #tpu.memory_space<semaphore_mem>>
    %dma_wait3A_66 = tpu.memref_squeeze %dma_wait3A_65 : memref<1x!tpu.dma_semaphore, #tpu.memory_space<semaphore_mem>> -> memref<!tpu.dma_semaphore, #tpu.memory_space<semaphore_mem>>
    %dma_wait3A_67 = arith.constant 0 : i32
    %dma_wait3A_68 = tpu.memref_slice %arg5[%dma_wait3A_56, %dma_wait3A_67, %mul3A_2] : memref<200x64x4096xf32, #tpu.memory_space<hbm>> -> memref<1x64x128xf32, #tpu.memory_space<hbm>>
    %dma_wait3A_69 = tpu.memref_squeeze %dma_wait3A_68 : memref<1x64x128xf32, #tpu.memory_space<hbm>> -> memref<64x128xf32, #tpu.memory_space<hbm>>
    %dma_wait3A_70 = arith.constant 0 : i32
    %dma_wait3A_71 = arith.constant 0 : i32
    %dma_wait3A_72 = tpu.memref_slice %arg9[%dma_wait3A_55, %dma_wait3A_70, %dma_wait3A_71] : memref<2x64x128xf32, #tpu.memory_space<vmem>> -> memref<1x64x128xf32, #tpu.memory_space<vmem>>
    %dma_wait3A_73 = tpu.memref_squeeze %dma_wait3A_72 : memref<1x64x128xf32, #tpu.memory_space<vmem>> -> memref<64x128xf32, #tpu.memory_space<vmem>>
    tpu.wait_dma2 semaphore(%dma_wait3A_66 : memref<!tpu.dma_semaphore, #tpu.memory_space<semaphore_mem>>) src(%dma_wait3A_73 : memref<64x128xf32, #tpu.memory_space<vmem>>) dst(%dma_wait3A_69 : memref<64x128xf32, #tpu.memory_space<hbm>>)
    return
  }
}

</mosaic_0001>

<sc_bundles>
// kernel: _run.3.cloned.1.call-start
scs
__scs_entry_jumppad:
0x0: {  	(pc) =	sbr.rel $0x88, $3  }
0x1: {  	(tag) =	ssettag $0x0;
	lr =	simm.s32 $0x1  }
0x2: {  	[smem:$0x3F9F] =	sst lr;
	_ =	strace $0xD0000000  }
0x3: {  	_ = 	snop  }
0x4: {  	_ = 	snop  }
0x5: {  	_ = 	snop  }
0x6: {  	_ = 	snop  }
0x7: {  	_ = 	snop  }
__scs_overlays_trampoline_lowered:
0x8: {  	[smem:$0x3FAE] =	sst s0  }
0x9: {  	[smem:$0x3FAF] =	sst s1  }
0xa: {  	[smem:$0x3FB0] =	sst s2  }
0xb: {  	[smem:$0x3FB1] =	sst s3  }
0xc: {  	[smem:$0x3FB2] =	sst s4  }
0xd: {  	[smem:$0x3FB3] =	sst s5  }
0xe: {  	[smem:$0x3FB4] =	sst s6  }
0xf: {  	[smem:$0x3FB5] =	sst s7  }
0x10: {  	[smem:$0x3FB6] =	sst s8  }
0x11: {  	[smem:$0x3FB7] =	sst s9;
	s0 =	simm.s32 @!p0 $0x0  }
0x12: {  	s1 =	sld [smem:$0x3F9D];
	s0 =	simm.s32 @p0 $0x1  }
0x13: {  	[smem:$0x3FB8] =	sst s0;
	s0 =	simm.s32 @!p1 $0x0  }
0x14: {  	s2 =	sld [smem:$0x3F9C];
	s0 =	simm.s32 @p1 $0x1  }
0x15: {  	[smem:$0x3FB9] =	sst s0;
	s0 =	simm.s32 @!p2 $0x0  }
0x16: {  	s3 =	sld [smem:$0x3FDB];
	s0 =	simm.s32 @p2 $0x1  }
0x17: {  	s4 =	simm.s32 $0x1BF5;
	[smem:$0x3FBB] =	sst s0  }
0x18: {  	s0 =	sld [smem:$0x3F9E];
	_ =	swait.ge [sflag:s4], $0x0  }
0x19: {  	s7 =	sld [smem:$0x3F9F]  }
0x1a: {  	s8 =	sadd.s32 $0xFFFFE003, lr  }
0x1b: {  	s9 =	sadd.s32 $0xFFFFFEF7, lr;
	s5 =	simm.s32 $0xFFFFFFFF;
	p2 =	slt.u32 s8, $0xFFFFF086  }
0x1c: {  	p1 =	slt.u32 s9, $0xF7A;
	s5 =	simm.s32 @!p2 $0x0  }
0x1d: {  	s5 =	simm.s32 @p1 $0x1;
	p0 =	seq.s32 s7, s2  }
0x1e: {  	s7 =	smul.u32 @!p0 $0xF7A, s2;
	p2 =	seq.s32 @!p0 s5, $0x0  }
0x1f: {  	s9 =	smul.u32 $0xF7A, s1;
	s8 =	simm.s32 @!p0 $0x1BF5;
	p2 =	por !p2, p0  }
0x20: {  	[sflag:s8] =	ssyncset.s32 @!p0 $0xFFFFF086;
	s6 =	sadd.s32 @!p0 s3, s7;
	s7 =	simm.s32 @!p0 $0x108  }
0x21: {  	s3 =	sadd.s32 s3, s9;
	s6 =	sadd.s32 @!p0 $0x88, s6;
	s7 =	simm.s32 @p2 $0x1082  }
0x22: {  	[simem:s7], [sflag:s8] =	dma.local @!p0 [hbm:s6], $0xF7A  }
0x23: {  	s9 =	sor.u32 $0xD0000000, s2;
	s6 =	simm.s32 $0x108;
	_ =	swait.ge @!p0 [sflag:s8], $0x0  }
0x24: {  	s3 =	sadd.s32 $0x88, s3;
	s6 =	simm.s32 @!p1 $0x1082;
	[sflag:s4] =	ssyncset.s32 $0xFFFFF086  }
0x25: {  	[simem:s6], [sflag:s4] =	dma.local [hbm:s3], $0xF7A  }
0x26: {  	[smem:$0x3F9F] =	sst s1;
	(tag) =	ssettag s2;
	_ =	strace s9  }
0x27: {  	s1 =	sld [smem:$0x3FAF]  }
0x28: {  	s2 =	sld [smem:$0x3FB0]  }
0x29: {  	s4 =	sld [smem:$0x3FB2]  }
0x2a: {  	p0 =	seq.s32 s5, $0x0;
	s5 =	sld [smem:$0x3FB3]  }
0x2b: {  	s6 =	sld [smem:$0x3FB4]  }
0x2c: {  	s7 =	sld [smem:$0x3FB5]  }
0x2d: {  	s3 =	simm.s32 $0x108;
	s8 =	sld [smem:$0x3FB6]  }
0x2e: {  	s3 =	simm.s32 @!p0 $0x1082;
	s9 =	sld [smem:$0x3FB7]  }
0x2f: {  	lr =	sadd.s32 s0, s3;
	s0 =	sld [smem:$0x3FAE]  }
0x30: {  	s3 =	sld [smem:$0x3FB1]  }
0x31: {  	[smem:$0x3FBA] =	sst s10  }
0x32: {  	s10 =	sld [smem:$0x3FB8];
	_ =	sdelay $0x3  }
0x33: {  	p0 =	seq.s32 s10, $0x1;
	s10 =	sld [smem:$0x3FBA];
	_ =	sdelay $0x3  }
0x34: {  	[smem:$0x3FBA] =	sst s10  }
0x35: {  	s10 =	sld [smem:$0x3FB9];
	_ =	sdelay $0x3  }
0x36: {  	p1 =	seq.s32 s10, $0x1;
	s10 =	sld [smem:$0x3FBA];
	_ =	sdelay $0x3  }
0x37: {  	[smem:$0x3FBA] =	sst s10  }
0x38: {  	s10 =	sld [smem:$0x3FBB]  }
0x39: {  	_ = 	snop;
	(pc) =	sbr.ind lr, $3  }
0x3a: {  	_ = 	snop  }
0x3b: {  	_ = 	snop  }
0x3c: {  	p2 =	seq.s32 s10, $0x1;
	s10 =	sld [smem:$0x3FBA]  }
0x3d: {  	_ =	shalt  }
0x3e: {  	_ =	shalt  }
0x3f: {  	_ =	shalt  }
0x40: {  	_ =	shalt  }
0x41: {  	_ =	shalt  }
0x42: {  	_ =	shalt  }
0x43: {  	_ =	shalt  }
0x44: {  	_ =	shalt  }
0x45: {  	_ =	shalt  }
0x46: {  	_ =	shalt  }
0x47: {  	_ =	shalt  }
0x48: {  	_ =	shalt  }
0x49: {  	_ =	shalt  }
0x4a: {  	_ =	shalt  }
0x4b: {  	_ =	shalt  }
0x4c: {  	_ =	shalt  }
0x4d: {  	_ =	shalt  }
0x4e: {  	_ =	shalt  }
0x4f: {  	_ =	shalt  }
0x50: {  	_ =	shalt  }
0x51: {  	_ =	shalt  }
0x52: {  	_ =	shalt  }
0x53: {  	_ =	shalt  }
0x54: {  	_ =	shalt  }
0x55: {  	_ =	shalt  }
0x56: {  	_ =	shalt  }
0x57: {  	_ =	shalt  }
0x58: {  	_ =	shalt  }
0x59: {  	_ =	shalt  }
0x5a: {  	_ =	shalt  }
0x5b: {  	_ =	shalt  }
0x5c: {  	_ =	shalt  }
0x5d: {  	_ =	shalt  }
0x5e: {  	_ =	shalt  }
0x5f: {  	_ =	shalt  }
0x60: {  	_ =	shalt  }
0x61: {  	_ =	shalt  }
0x62: {  	_ =	shalt  }
0x63: {  	_ =	shalt  }
0x64: {  	_ =	shalt  }
0x65: {  	_ =	shalt  }
0x66: {  	_ =	shalt  }
0x67: {  	_ =	shalt  }
0x68: {  	_ =	shalt  }
0x69: {  	_ =	shalt  }
0x6a: {  	_ =	shalt  }
0x6b: {  	_ =	shalt  }
0x6c: {  	_ =	shalt  }
0x6d: {  	_ =	shalt  }
0x6e: {  	_ =	shalt  }
0x6f: {  	_ =	shalt  }
0x70: {  	_ =	shalt  }
0x71: {  	_ =	shalt  }
0x72: {  	_ =	shalt  }
0x73: {  	_ =	shalt  }
0x74: {  	_ =	shalt  }
0x75: {  	_ =	shalt  }
0x76: {  	_ =	shalt  }
0x77: {  	_ =	shalt  }
0x78: {  	_ =	shalt  }
0x79: {  	_ =	shalt  }
0x7a: {  	_ =	shalt  }
0x7b: {  	_ =	shalt  }
0x7c: {  	_ =	shalt  }
0x7d: {  	_ =	shalt  }
0x7e: {  	_ =	shalt  }
0x7f: {  	_ =	shalt  }
0x80: {  	_ =	shalt  }
0x81: {  	_ =	shalt  }
0x82: {  	_ =	shalt  }
0x83: {  	_ =	shalt  }
0x84: {  	_ =	shalt  }
0x85: {  	_ =	shalt  }
0x86: {  	_ =	shalt  }
0x87: {  	_ =	shalt  }
.Lfunc_end0:
.L_simem_size_0:
called_computation_lowered:
.L_overlay_start_0:
0x88: {  	s2 =	sld [smem:$0x3FD9]  }
0x89: {  	s3 =	sld [smem:$0x3FFE];
	_ =	sdelay $0x1  }
0x8a: {  	s1 =	srdreg.scid  }
0x8b: {  	s0 =	sand.u32 $0x1, s1  }
0x8c: {  	s17 =	sshll.u32 s0, $0xA;
	s2 =	sadd.s32 s3, s2  }
0x8d: {  	s2 =	sadd.s32 s2, s17  }
0x8e: {  	[smem:$0x3FC6] =	sst s2  }
0x8f: {  	_ = 	snop  }
0x90: {  	s2 =	sld [smem:$0x3FD0];
	(tm) =	ssettm $0x1  }
0x91: {  	s18 =	sld [smem:$0x3FFB];
	_ =	sdelay $0x3  }
0x92: {  	_ =	strace s18  }
0x93: {  	s3 =	sld [smem:$0x3FFC];
	_ =	sdelay $0x3  }
0x94: {  	_ =	strace s3  }
0x95: {  	s3 =	sld [smem:$0x3FFD];
	_ =	sdelay $0x3  }
0x96: {  	_ =	strace s3  }
0x97: {  	_ =	strace $0x8FFFFFFF  }
0x98: {  	s19 =	sld [smem:$0x3FDB];
	_ =	sdelay $0x1  }
0x99: {  	s4 =	simm.s32 $_scs_section_size  }
0x9a: {  	s5 =	simm.s32 $_size__tile_overlayer_lowered;
	s6 =	simm.s32 $_tile_overlayer_lowered  }
0x9b: {  	s22 =	simm.s32 $0x1BFF;
	s21 =	sshll.u32 s6, $0x1;
	s3 =	sadd.s32 s4, s19  }
0x9c: {  	s7 =	simm.s32 $0x0;
	s20 =	sshll.u32 s5, $0x1;
	s5 =	sadd.s32 s21, s3  }
0x9d: {  	[timem:s7], [sflag:s22] =	dma.local [hbm:s5], s20  }
0x9e: {  	_ =	swait.ge [sflag:s22], s20  }
0x9f: {  	s4 =	ssub.s32 $0x0, s20;
	[sflag:s22] =	ssyncset.done $0x0  }
0xa0: {  	[sflag:s22] =	ssyncadd.s32 s4;
	_ =	sdelay $0x1  }
0xa1: {  	s23 =	simm.s32 $0x1B8B  }
0xa2: {  	_ =	swait.ge [sflag:s23], $0x1  }
0xa3: {  	[sflag:s23] =	ssyncset.done $0x0  }
0xa4: {  	s25 =	simm.s32 $0x1B8E;
	s24 =	sld [smem:$0x3FFE];
	[sflag:s23] =	ssyncadd.s32 $0xFFFFFFFF  }
0xa5: {  	s26 =	simm.s32 $execute0_lowered;
	[smem:$0x3FD2] =	sst s25  }
0xa6: {  	s5 =	sshll.u32 s26, $0x1;
	_ =	strace $0x80000046;
	[dreg:$0x1] =	wrdreg $0xFFFFFFFF  }
0xa7: {  	s28 =	simm.s32 $_size_execute0_lowered;
	s3 =	sadd.s32 s3, s5;
	[dreg:$0x0] =	wrdreg $0x0  }
0xa8: {  	s5 =	sshll.u32 s28, $0x1;
	[dreg:$0x2] =	wrdreg s3  }
0xa9: {  	[dreg:$0x3] =	wrdreg s5  }
0xaa: {  	[dreg:$0x4] =	wrdreg $0xC0  }
0xab: {  	_ =	task [dreg:s7], $0x5FFFF  }
0xac: {  	[dreg:$0x1] =	wrdreg $0xFFFFFFFF  }
0xad: {  	[dreg:$0x0] =	wrdreg $0x60  }
0xae: {  	[dreg:$0x2] =	wrdreg s2  }
0xaf: {  	[dreg:$0x3] =	wrdreg s24  }
0xb0: {  	[dreg:$0x4] =	wrdreg $0x9  }
0xb1: {  	_ =	task.clear_ibuf [dreg:s7], $0x5FFFF;
	_ =	strace $0x90000046  }
0xb2: {  	s29 =	simm.s32 $0x9;
	_ =	strace $0x80000048  }
0xb3: {  	_ =	swait.ge [sflag:s29], $0x1  }
0xb4: {  	[sflag:s29] =	ssyncadd.s32 $0xFFFFFFFF  }
0xb5: {  	_ =	strace $0x90000048  }
0xb6: {  	_ =	sfence  }
0xb7: {  	s30 =	sld [smem:$0x0];
	_ =	sdelay $0x2  }
0xb8: {  	s31 =	sshll.u32 s1, $0xD;
	s1 =	sshrl.u32 s1, $0x2  }
0xb9: {  	s3 =	sand.u32 $0x4000, s31;
	s1 =	sadd.s32 s1, s30  }
0xba: {  	s0 =	sor.u32 s3, s0;
	s1 =	sshll.u32 s1, $0x11  }
0xbb: {  	s0 =	sor.u32 s1, s0  }
0xbc: {  	s0 =	sadd.s32 $0x8F2B, s0  }
0xbd: {  	[sflag:s0] =	ssyncadd.remote.s32 $0x1  }
0xbe: {  	_ =	sfence.sel $0xFFFF  }
0xbf: {  	[dreg:$0x0] =	wrdreg $0xFFFFFFFF;
	(pc) =	sbr.abs _section_cstart, $3  }
0xc0: {  	[dreg:$0x1] =	wrdreg $0xFFFFFFFF  }
0xc1: {  	_ =	task.clear_ibuf [dreg:s7], $0x2FFFF;
	_ =	strace $0x9FFFFFFF  }
0xc2: {  	(tm) =	ssettm $0x7FFFFFFF  }
0xc3: {  	_ =	shalt  }
tec
execute0_lowered:
.L_overlay_start_1:
0x0: {  	(tag) =	ssettag $0x1  }
0x1: {  	v0 =	vlaneseq.u32  }
0x2: {  	s5 =	rddreg [dreg:$0x0];
	v55 =	vmul.u32 $0x48, v0  }
0x3: {  	s6 =	rddreg [dreg:$0x1];
	s1 =	simm.s32 $0x0  }
0x4: {  	[smem:$0x7FF] =	sst s1;
	v0 =	vadd.s32 $0x904, v55  }
0x5: {  	s0 =	rddreg [dreg:$0x2];
	_ =	strace $0x80000047;
	v6 =	vadd.s32 $0x1F82, v55;
	[tilespmem:$0x1FCD0] =	vst v0  }
0x6: {  	v45 =	vadd.s32 $0x1F85, v55;
	[tilespmem:$0x1FD70] =	vst v6  }
0x7: {  	v7 =	vadd.s32 $0x1F83, v55;
	[tilespmem:$0x1FD80] =	vst v45  }
0x8: {  	v8 =	vadd.s32 $0x1F84, v55;
	[tilespmem:$0x1FD90] =	vst v7  }
0x9: {  	v48 =	vadd.s32 $0x1684, v55;
	[tilespmem:$0x1FDA0] =	vst v8  }
0xa: {  	v20 =	vor.u32 $0x4, v55;
	[tilespmem:$0x1FDB0] =	vst v48  }
0xb: {  	v19 =	vor.u32 $0x3, v55;
	[tilespmem:$0x1FDC0] =	vst v20  }
0xc: {  	v47 =	vadd.s32 $0x485, v55;
	[tilespmem:$0x1FDD0] =	vst v19  }
0xd: {  	v28 =	vadd.s32 $0x1686, v55;
	[tilespmem:$0x1FDE0] =	vst v47  }
0xe: {  	v10 =	vadd.s32 $0x484, v55;
	[tilespmem:$0x1FDF0] =	vst v28  }
0xf: {  	v33 =	vadd.s32 $0x483, v55;
	[tilespmem:$0x1FE00] =	vst v10  }
0x10: {  	v22 =	vadd.s32 $0x1685, v55;
	[tilespmem:$0x1FE10] =	vst v33  }
0x11: {  	v21 =	vor.u32 $0x5, v55;
	[tilespmem:$0x1FE20] =	vst v22  }
0x12: {  	v46 =	vadd.s32 $0x903, v55;
	[tilespmem:$0x1FE30] =	vst v21  }
0x13: {  	v41 =	vadd.s32 $0x1202, v55;
	[tilespmem:$0x1FE40] =	vst v46  }
0x14: {  	v24 =	vadd.s32 $0x1200, v55;
	[tilespmem:$0x1FE50] =	vst v41  }
0x15: {  	v44 =	vadd.s32 $0x1F80, v55;
	[tilespmem:$0x1FE60] =	vst v24  }
0x16: {  	v37 =	vadd.s32 $0x1B04, v55;
	[tilespmem:$0x1FE70] =	vst v44  }
0x17: {  	v27 =	vadd.s32 $0x1B00, v55;
	[tilespmem:$0x1FE80] =	vst v37  }
0x18: {  	v38 =	vadd.s32 $0x1682, v55;
	[tilespmem:$0x1FE90] =	vst v27  }
0x19: {  	v15 =	vadd.s32 $0x1683, v55;
	[tilespmem:$0x1FEA0] =	vst v38  }
0x1a: {  	v40 =	vadd.s32 $0xD83, v55;
	[tilespmem:$0x1FEB0] =	vst v15  }
0x1b: {  	v23 =	vadd.s32 $0x1B06, v55;
	[tilespmem:$0x1FEC0] =	vst v40  }
0x1c: {  	v11 =	vadd.s32 $0x1680, v55;
	[tilespmem:$0x1FED0] =	vst v23  }
0x1d: {  	v9 =	vadd.s32 $0x1F81, v55;
	[tilespmem:$0x1FEE0] =	vst v11  }
0x1e: {  	v49 =	vor.u32 $0x1, v55;
	[tilespmem:$0x1FEF0] =	vst v9  }
0x1f: {  	v25 =	vadd.s32 $0x1B05, v55;
	[tilespmem:$0x1FF00] =	vst v49  }
0x20: {  	v36 =	vadd.s32 $0x902, v55;
	[tilespmem:$0x1FF10] =	vst v25  }
0x21: {  	v12 =	vor.u32 $0x6, v55;
	[tilespmem:$0x1FF20] =	vst v36  }
0x22: {  	v3 =	vor.u32 $0x2, v55;
	[tilespmem:$0x1FF30] =	vst v12  }
0x23: {  	v35 =	vadd.s32 $0x1B03, v55;
	[tilespmem:$0x1FF40] =	vst v3  }
0x24: {  	v34 =	vadd.s32 $0x1B02, v55;
	[tilespmem:$0x1FF50] =	vst v35  }
0x25: {  	v5 =	vadd.s32 $0x1B01, v55;
	[tilespmem:$0x1FF60] =	vst v34  }
0x26: {  	v39 =	vadd.s32 $0xD82, v55;
	[tilespmem:$0x1FF70] =	vst v5  }
0x27: {  	v14 =	vadd.s32 $0x1681, v55;
	[tilespmem:$0x1FF80] =	vst v39  }
0x28: {  	v32 =	vadd.s32 $0x482, v55;
	[tilespmem:$0x1FF90] =	vst v14  }
0x29: {  	v4 =	vadd.s32 $0x480, v55;
	[tilespmem:$0x1FFA0] =	vst v32  }
0x2a: {  	v26 =	vadd.s32 $0x901, v55;
	[tilespmem:$0x1FFB0] =	vst v4  }
0x2b: {  	v16 =	vadd.s32 $0x900, v55;
	[tilespmem:$0x1FFC0] =	vst v26  }
0x2c: {  	v56 =	vadd.s32 $0xD81, v55;
	[tilespmem:$0x1FFD0] =	vst v16  }
0x2d: {  	v52 =	vadd.s32 $0xD80, v55;
	[tilespmem:$0x1FFE0] =	vst v56  }
0x2e: {  	v0 =	vadd.s32 $0xD84, v55;
	[tilespmem:$0x1FFF0] =	vst v52  }
0x2f: {  	s3 =	srdreg.scid;
	[tilespmem:$0x1FCE0] =	vst v0;
	v0 =	vadd.s32 $0x1204, v55  }
0x30: {  	s2 =	stileid.u32;
	s11 =	simm.s32 $0x9600;
	s12 =	simm.s32 $0xBA00;
	[tilespmem:$0x1FCF0] =	vst v0;
	v0 =	vadd.s32 $0x905, v55  }
0x31: {  	s13 =	simm.s32 $0x1000;
	s14 =	simm.s32 $0x3;
	s15 =	simm.s32 $0x4;
	[tilespmem:$0x1FD00] =	vst v0;
	v0 =	vadd.s32 $0xD85, v55  }
0x32: {  	s16 =	simm.s32 $0x0;
	s4 =	sand.u32 $0x1, s3;
	s7 =	sshll.u32 s2, $0x1;
	[tilespmem:$0x1FD10] =	vst v0;
	v0 =	vadd.s32 $0x1205, v55  }
0x33: {  	s3 =	sadd.s32 $0x895E00, s6;
	s7 =	sor.u32 s4, s7;
	s8 =	ssub.s32 $0x2, s4;
	[tilespmem:$0x1FD20] =	vst v0;
	v0 =	vadd.s32 $0x486, v55  }
0x34: {  	s9 =	sshll.u32 s7, $0x4;
	s10 =	sshrl.u32 s8, $0x1;
	s7 =	smul.u32 $0xC80, s7;
	[tilespmem:$0x1FD30] =	vst v0;
	v0 =	vadd.s32 $0x906, v55  }
0x35: {  	v1 =	vimm.s32 $0x0;
	vm0 =	vcmask $0x300;
	s4 =	sadd.s32 $0x800, s6;
	s6 =	sadd.s32 s9, s6;
	s8 =	ssub.s32 s8, s10;
	[tilespmem:$0x1FD40] =	vst v0;
	v0 =	vadd.s32 $0xD86, v55  }
0x36: {  	v1 =	vsel vm0, $0x3, v1;
	s9 =	simm.s32 $0x6400;
	s10 =	simm.s32 $0x80;
	s5 =	sadd.s32 s5, s7;
	[tilespmem:$0x1FD50] =	vst v0;
	v0 =	vadd.s32 $0x1206, v55  }
0x37: {  	v54 =	vadd.s32 $0x481, v55;
	v43 =	vadd.s32 $0x1201, v55;
	v42 =	vadd.s32 $0x1203, v55;
	s6 =	sadd.s32 $0x896600, s6;
	s7 =	smax.u32 s8, $0x1;
	s8 =	simm.s32 $0x5;
	[tilespmem:$0x1FD60] =	vst v0  }
.LBB2_1:
0x38: {  	[tilespmem:s1], [sflag:$0x5] =	stream.linear.gather [hbm4b:s5+s1], $0x6400, $0x38;
	[tilespmem:$0x11E00] =	vst v63  }
0x39: {  	_ =	swait.ge [sflag:s8], $0x6400  }
0x3a: {  	[sflag:s8] =	ssyncset.done $0x0  }
0x3b: {  	[sflag:s8] =	ssyncadd.s32 $0xFFFF9C00  }
0x3c: {  	[tilespmem:s9], [sflag:$0x5] =	stream.linear.gather [hbm4b:s3+s1], $0x3200, $0x38;
	[tilespmem:$0x11E00] =	vst v63  }
0x3d: {  	_ =	swait.ge [sflag:s8], $0x3200  }
0x3e: {  	[sflag:s8] =	ssyncset.done $0x0  }
0x3f: {  	[sflag:s8] =	ssyncadd.s32 $0xFFFFCE00  }
0x40: {  	[tilespmem:s11], [sflag:$0x1] =	stream.indirect.gather [hbm4b:s4+s10], $0x48, s1, s10, $0xb8;
	[tilespmem:$0x11E00] =	vst v63  }
0x41: {  	p0 =	por $0x0, $0x0;
	s17 =	simm.s32 $0x0  }
0x42: {  	[tilespmem:s12], [sflag:$0x2] =	stream.indirect.gather [hbm4b:s4+s10], $0x48, s10, s10, $0xb8;
	[tilespmem:$0x11E00] =	vst v63  }
.LBB2_2:
0x43: {  	s18 =	sshll.u32 s17, $0x6;
	s29 =	simm.s32 $0x0;
	s30 =	simm.s32 $0x1  }
0x44: {  	s19 =	simm.s32 $0x2;
	s20 =	simm.s32 $0x3;
	s21 =	simm.s32 $0x4;
	v53 =	vmov s18;
	v0 =	vmov s29;
	v2 =	vmov s30  }
0x45: {  	v37 =	vmovc v3;
	v14 =	vmovc v4;
	v3 =	vmov s19;
	v4 =	vmov s20;
	v5 =	vmov s21  }
0x46: {  	v51 =	vor.u32 $0x1, v53;
	v9 =	vor.u32 $0x2, v53;
	v50 =	vor.u32 $0x3, v53  }
0x47: {  	v0 =	vshrl.u32 v0, $0x3;
	v2 =	vshrl.u32 v2, $0x3;
	v3 =	vshrl.u32 v3, $0x3  }
0x48: {  	p1 =	slt.u32 s17, $0x2;
	s18 =	sand.u32 $0x1, s17;
	v4 =	vshrl.u32 v4, $0x3;
	v0 =	vshll.u32 v0, v1;
	v2 =	vshll.u32 v2, v1  }
0x49: {  	s19 =	sadd.s32 @!p1 $0x3, s18;
	v3 =	vshll.u32 v3, v1;
	v23 =	vbroadcast v0, $0x0;
	v0 =	vshrl.u32 v5, $0x3  }
0x4a: {  	s22 =	simm.s32 $0x7;
	_ =	swait.ge @!p1 [sflag:s19], $0x2000;
	v28 =	vbroadcast v2, $0x0;
	v2 =	vshll.u32 v4, v1;
	v31 =	vbroadcast v3, $0x0  }
0x4b: {  	[sflag:s19] =	ssyncset.done @!p1 $0x0;
	v5 =	vmov s22;
	v0 =	vshll.u32 v0, v1;
	v4 =	vadd.s32 v55, v23  }
0x4c: {  	s31 =	smul.u32 $0x9000, s18;
	[sflag:s19] =	ssyncadd.s32 @!p1 $0xFFFFE000;
	s19 =	sadd.s32 $0x1, s18;
	v57 =	vbroadcast v2, $0x0;
	v5 =	vshrl.u32 v5, $0x3;
	v3 =	vor.u32 v28, v51  }
0x4d: {  	_ =	swait.ge [sflag:s19], $0x2400;
	v2 =	vor.u32 v31, v9;
	v13 =	vbroadcast v0, $0x0;
	v5 =	vshll.u32 v5, v1  }
0x4e: {  	v11 =	vor.u32 $0x4, v53;
	s20 =	sshrl.u32 s31, $0x2;
	[sflag:s19] =	ssyncset.done $0x0;
	v6 =	vor.u32 v57, v50;
	v5 =	vbroadcast v5, $0x0  }
0x4f: {  	s23 =	simm.s32 $0x5;
	v22 =	vor.u32 $0x7, v55;
	s20 =	sadd.s32 $0x9600, s20;
	[sflag:s19] =	ssyncadd.s32 $0xFFFFDC00;
	v7 =	vor.u32 v13, v11  }
0x50: {  	v45 =	vmov v16;
	v16 =	vmov s23;
	v18 =	vadd.s32 v22, v5;
	v8 =	vld.idx.msk [tilespmem:v4+s20+$0x0], $0xffff  }
0x51: {  	s24 =	simm.s32 $0x6;
	v16 =	vshrl.u32 v16, $0x3;
	v4 =	vadd.s32 v49, v28;
	v63 =	vld.idx.msk [tilespmem:v3+s9+$0x0], $0xffff  }
0x52: {  	v17 =	vmov s24;
	v16 =	vshll.u32 v16, v1;
	v3 =	vadd.s32 v37, v31;
	v60 =	vld.idx.msk [tilespmem:v2+s9+$0x0], $0xffff;
	[tilespmem:$0x1FC20] =	vst v22  }
0x53: {  	v0 =	vor.u32 $0x7, v53;
	v2 =	vshrl.u32 v17, $0x3;
	v61 =	vld.idx.msk [tilespmem:v6+s9+$0x0], $0xffff;
	v6 =	vadd.s32 v19, v57  }
0x54: {  	v17 =	vshll.u32 v2, v1;
	v2 =	vbroadcast v16, $0x0;
	v58 =	vld.idx.msk [tilespmem:v7+s9+$0x0], $0xffff;
	[tilespmem:$0x1FC30] =	vst v0;
	v7 =	vor.u32 v5, v0  }
0x55: {  	v20 =	vadd.s32 v20, v13;
	v59 =	vbroadcast v17, $0x0;
	v22 =	vld.idx.msk [tilespmem:v18+s20+$0x0], $0xffff  }
0x56: {  	v21 =	vadd.s32 v21, v2;
	v19 =	vld.idx.msk [tilespmem:v4+s20+$0x0], $0xffff  }
0x57: {  	v25 =	vadd.s32 v12, v59;
	v3 =	vld.idx.msk [tilespmem:v3+s20+$0x0], $0xffff;
	v4 =	vor.u32 $0x5, v53  }
0x58: {  	v0 =	vor.u32 $0x6, v53;
	v18 =	vmov v26;
	v6 =	vld.idx.msk [tilespmem:v6+s20+$0x0], $0xffff;
	[tilespmem:$0x1FC40] =	vst v4;
	v26 =	vor.u32 v2, v4  }
0x59: {  	v4 =	vld.idx.msk [tilespmem:v7+s9+$0x0], $0xffff;
	[tilespmem:$0x1FC50] =	vst v0;
	v7 =	vor.u32 v59, v0  }
0x5a: {  	v27 =	vor.u32 v53, v23;
	v20 =	vld.idx.msk [tilespmem:v20+s20+$0x0], $0xffff  }
0x5b: {  	v0 =	vadd.s32 $0x487, v55;
	v21 =	vld.idx.msk [tilespmem:v21+s20+$0x0], $0xffff  }
0x5c: {  	s21 =	simm.s32 $0x1;
	v22 =	vmul.f32 $8.000000000e+00, v22;
	v25 =	vld.idx.msk [tilespmem:v25+s20+$0x0], $0xffff;
	[tilespmem:$0x1FC60] =	vst v0  }
0x5d: {  	v48 =	vmovc v15;
	s21 =	simm.s32 @!p0 $0x0;
	v29 =	vadd.s32 v54, v28;
	v30 =	vadd.s32 v0, v5;
	v19 =	vmul.f32 $8.000000000e+00, v19;
	v62 =	vld.idx.msk [tilespmem:v26+s9+$0x0], $0xffff  }
0x5e: {  	v15 =	vmovc v56;
	s21 =	sshll.u32 s21, $0xD;
	v32 =	vadd.s32 v32, v31;
	v3 =	vmul.f32 $8.000000000e+00, v3;
	v56 =	vld.idx.msk [tilespmem:v7+s9+$0x0], $0xffff;
	v7 =	vadd.f32 v22, v4  }
0x5f: {  	s21 =	sadd.s32 $0xE000, s21;
	v33 =	vadd.s32 v33, v57;
	v12 =	vmovc v57;
	v57 =	vld.idx.msk [tilespmem:v27+s9+$0x0], $0xffff;
	v6 =	vmul.f32 $8.000000000e+00, v6;
	v19 =	vadd.f32 v19, v63  }
0x60: {  	v27 =	vld [tilespmem:$0x1FD30];
	v3 =	vadd.f32 v3, v60;
	v20 =	vmul.f32 $8.000000000e+00, v20;
	[tilespmem:s21+$0x180] =	vst v7  }
0x61: {  	v26 =	vadd.s32 v10, v13;
	v6 =	vadd.f32 v6, v61;
	[tilespmem:s21+$0xFFFFFE80] =	vst v19;
	v7 =	vmul.f32 $8.000000000e+00, v21  }
0x62: {  	v22 =	vadd.s32 v47, v2;
	v19 =	vmul.f32 $8.000000000e+00, v25;
	[tilespmem:s21+$0xFFFFFF00] =	vst v3;
	v21 =	vld.idx.msk [tilespmem:v30+s20+$0x0], $0xffff;
	v3 =	vadd.f32 v20, v58  }
0x63: {  	v25 =	vld.idx.msk [tilespmem:v29+s20+$0x0], $0xffff;
	[tilespmem:s21+$0xFFFFFF80] =	vst v6;
	v6 =	vadd.f32 v7, v62  }
0x64: {  	v8 =	vmul.f32 $8.000000000e+00, v8;
	v29 =	vld.idx.msk [tilespmem:v32+s20+$0x0], $0xffff;
	v30 =	vadd.f32 v19, v56;
	[tilespmem:s21+$0x0] =	vst v3  }
0x65: {  	v47 =	vld.idx.msk [tilespmem:v33+s20+$0x0], $0xffff;
	[tilespmem:s21+$0x80] =	vst v6  }
0x66: {  	v0 =	vadd.s32 $0x907, v55;
	v8 =	vadd.f32 v8, v57;
	v26 =	vld.idx.msk [tilespmem:v26+s20+$0x0], $0xffff;
	[tilespmem:s21+$0x100] =	vst v30  }
0x67: {  	v22 =	vld.idx.msk [tilespmem:v22+s20+$0x0], $0xffff;
	[tilespmem:$0x1FC70] =	vst v0  }
0x68: {  	v27 =	vadd.s32 v27, v59;
	[tilespmem:s21+$0xFFFFFE00] =	vst v8  }
0x69: {  	v37 =	vadd.s32 v46, v12;
	v21 =	vmul.f32 $8.000000000e+00, v21;
	v46 =	vld [tilespmem:$0x1FCD0];
	_ =	sdelay $0x1  }
0x6a: {  	v20 =	vadd.s32 v14, v23;
	v21 =	vadd.f32 v21, v4  }
0x6b: {  	v10 =	vmov v34;
	v34 =	vadd.s32 v0, v5  }
0x6c: {  	v52 =	vmov v35;
	v35 =	vadd.s32 v18, v28;
	v25 =	vmul.f32 $8.000000000e+00, v25;
	v8 =	vld.idx.msk [tilespmem:v27+s20+$0x0], $0xffff;
	[tilespmem:s21+$0x190] =	vst v21  }
0x6d: {  	v32 =	vmul.f32 $8.000000000e+00, v47;
	v47 =	vmov v38;
	v38 =	vadd.s32 v46, v13;
	v46 =	vld [tilespmem:$0x1FD00]  }
0x6e: {  	v29 =	vmul.f32 $8.000000000e+00, v29;
	v25 =	vadd.f32 v25, v63  }
0x6f: {  	v36 =	vadd.s32 v36, v31;
	v20 =	vld.idx.msk [tilespmem:v20+s20+$0x0], $0xffff  }
0x70: {  	v29 =	vadd.f32 v29, v60;
	v26 =	vmul.f32 $8.000000000e+00, v26;
	[tilespmem:s21+$0xFFFFFE90] =	vst v25;
	v25 =	vld.idx.msk [tilespmem:v34+s20+$0x0], $0xffff  }
0x71: {  	v21 =	vadd.f32 v32, v61;
	v22 =	vmul.f32 $8.000000000e+00, v22;
	v35 =	vld.idx.msk [tilespmem:v35+s20+$0x0], $0xffff  }
0x72: {  	v26 =	vadd.f32 v26, v58;
	v8 =	vmul.f32 $8.000000000e+00, v8;
	v32 =	vadd.s32 v46, v2;
	v46 =	vld [tilespmem:$0x1FD40];
	[tilespmem:s21+$0xFFFFFF10] =	vst v29  }
0x73: {  	v22 =	vadd.f32 v22, v62;
	[tilespmem:s21+$0xFFFFFF90] =	vst v21  }
0x74: {  	v20 =	vmul.f32 $8.000000000e+00, v20;
	v8 =	vadd.f32 v8, v56;
	[tilespmem:s21+$0x10] =	vst v26;
	v36 =	vld.idx.msk [tilespmem:v36+s20+$0x0], $0xffff  }
0x75: {  	[tilespmem:s21+$0x90] =	vst v22;
	v37 =	vld.idx.msk [tilespmem:v37+s20+$0x0], $0xffff  }
0x76: {  	v0 =	vadd.s32 $0xD87, v55;
	v26 =	vadd.f32 v20, v57;
	[tilespmem:s21+$0x110] =	vst v8;
	v38 =	vld.idx.msk [tilespmem:v38+s20+$0x0], $0xffff  }
0x77: {  	s23 =	simm.s32 $0xB;
	v19 =	vmovc v45;
	v29 =	vadd.s32 v45, v23;
	v25 =	vmul.f32 $8.000000000e+00, v25;
	v45 =	vmul.f32 $8.000000000e+00, v35;
	v32 =	vld.idx.msk [tilespmem:v32+s20+$0x0], $0xffff;
	[tilespmem:$0x1FC80] =	vst v0  }
0x78: {  	v33 =	vmov s23;
	v34 =	vadd.s32 v46, v59;
	[tilespmem:s21+$0xFFFFFE10] =	vst v26  }
0x79: {  	v22 =	vshrl.u32 v33, $0x3;
	v25 =	vadd.f32 v25, v4;
	v33 =	vadd.f32 v45, v63;
	v45 =	vld [tilespmem:$0x1FCE0]  }
0x7a: {  	v46 =	vmul.f32 $8.000000000e+00, v36  }
0x7b: {  	s29 =	simm.s32 $0xD;
	[tilespmem:s21+$0x1A0] =	vst v25  }
0x7c: {  	v27 =	vmov s29;
	v35 =	vadd.f32 v46, v60;
	v46 =	vld [tilespmem:$0x1FD10]  }
0x7d: {  	v8 =	vshrl.u32 v27, $0x3;
	v27 =	vadd.s32 v0, v5;
	v36 =	vadd.s32 v39, v31;
	[tilespmem:s21+$0xFFFFFEA0] =	vst v33;
	v26 =	vld.idx.msk [tilespmem:v34+s20+$0x0], $0xffff  }
0x7e: {  	v39 =	vadd.s32 v40, v12;
	v34 =	vadd.s32 v15, v28;
	v40 =	vadd.s32 v45, v13;
	v45 =	vld [tilespmem:$0x1FD50]  }
0x7f: {  	s22 =	simm.s32 $0x8  }
0x80: {  	s25 =	simm.s32 $0x9;
	s26 =	simm.s32 $0xA;
	v7 =	vmov s22;
	v37 =	vmul.f32 $8.000000000e+00, v37;
	v38 =	vmul.f32 $8.000000000e+00, v38;
	v29 =	vld.idx.msk [tilespmem:v29+s20+$0x0], $0xffff  }
0x81: {  	v3 =	vshrl.u32 v7, $0x3;
	v7 =	vmov s25;
	v6 =	vmov s26  }
0x82: {  	v7 =	vshrl.u32 v7, $0x3;
	v25 =	vadd.f32 v37, v61;
	v27 =	vld.idx.msk [tilespmem:v27+s20+$0x0], $0xffff;
	v33 =	vadd.f32 v38, v58  }
0x83: {  	v6 =	vshrl.u32 v6, $0x3;
	[tilespmem:s21+$0xFFFFFF20] =	vst v35;
	v26 =	vmul.f32 $8.000000000e+00, v26;
	v38 =	vadd.s32 v45, v59;
	v45 =	vmovc v41;
	v41 =	vld.idx.msk [tilespmem:v34+s20+$0x0], $0xffff  }
0x84: {  	s30 =	simm.s32 $0xE;
	v7 =	vshll.u32 v7, v1;
	v32 =	vmul.f32 $8.000000000e+00, v32;
	v37 =	vadd.s32 v46, v2;
	v36 =	vld.idx.msk [tilespmem:v36+s20+$0x0], $0xffff  }
0x85: {  	v21 =	vmov s30;
	v29 =	vmul.f32 $8.000000000e+00, v29;
	v14 =	vld [tilespmem:$0x1FFF0];
	[tilespmem:s21+$0xFFFFFFA0] =	vst v25;
	v26 =	vadd.f32 v26, v56  }
0x86: {  	v0 =	vadd.s32 $0x1207, v55;
	v32 =	vadd.f32 v32, v62;
	v25 =	vshll.u32 v6, v1;
	[tilespmem:s21+$0x20] =	vst v33  }
0x87: {  	v6 =	vshrl.u32 v21, $0x3;
	v39 =	vld.idx.msk [tilespmem:v39+s20+$0x0], $0xffff;
	v29 =	vadd.f32 v29, v57;
	[tilespmem:s21+$0x120] =	vst v26;
	v26 =	vmul.f32 $8.000000000e+00, v27  }
0x88: {  	[tilespmem:s21+$0xA0] =	vst v32;
	v40 =	vld.idx.msk [tilespmem:v40+s20+$0x0], $0xffff;
	v34 =	vshll.u32 v6, v1;
	v6 =	vbroadcast v7, $0x0;
	v7 =	vmul.f32 $8.000000000e+00, v41  }
0x89: {  	v33 =	vshll.u32 v8, v1;
	v8 =	vld.idx.msk [tilespmem:v37+s20+$0x0], $0xffff;
	v36 =	vmul.f32 $8.000000000e+00, v36;
	[tilespmem:$0x1FC90] =	vst v0;
	v26 =	vadd.f32 v26, v4  }
0x8a: {  	v46 =	vadd.s32 v14, v23;
	[tilespmem:s21+$0xFFFFFE20] =	vst v29;
	v7 =	vadd.f32 v7, v63  }
0x8b: {  	v37 =	vadd.s32 v45, v31;
	v36 =	vadd.f32 v36, v60;
	v45 =	vld [tilespmem:$0x1FCF0];
	[tilespmem:s21+$0x1B0] =	vst v26  }
0x8c: {  	v29 =	vld.idx.msk [tilespmem:v38+s20+$0x0], $0xffff;
	[tilespmem:s21+$0xFFFFFEB0] =	vst v7  }
0x8d: {  	v27 =	vadd.s32 v0, v5;
	v26 =	vld [tilespmem:$0x1FD20];
	[tilespmem:s21+$0xFFFFFF30] =	vst v36  }
0x8e: {  	v32 =	vadd.s32 v43, v28;
	v36 =	vld [tilespmem:$0x1FD60]  }
0x8f: {  	v35 =	vld.idx.msk [tilespmem:v46+s20+$0x0], $0xffff  }
0x90: {  	v46 =	vmul.f32 $8.000000000e+00, v39;
	v39 =	vadd.s32 v42, v12  }
0x91: {  	v40 =	vmul.f32 $8.000000000e+00, v40;
	v41 =	vadd.s32 v45, v13  }
0x92: {  	v8 =	vmul.f32 $8.000000000e+00, v8;
	v38 =	vld.idx.msk [tilespmem:v27+s20+$0x0], $0xffff;
	v7 =	vadd.f32 v46, v61;
	v26 =	vadd.s32 v26, v2  }
0x93: {  	v27 =	vadd.f32 v40, v58;
	v32 =	vld.idx.msk [tilespmem:v32+s20+$0x0], $0xffff;
	v29 =	vmul.f32 $8.000000000e+00, v29;
	v36 =	vadd.s32 v36, v59  }
0x94: {  	v46 =	vadd.f32 v8, v62;
	v35 =	vmul.f32 $8.000000000e+00, v35;
	v37 =	vld.idx.msk [tilespmem:v37+s20+$0x0], $0xffff;
	[tilespmem:s21+$0xFFFFFFB0] =	vst v7  }
0x95: {  	v7 =	vbroadcast v25, $0x0;
	[tilespmem:s21+$0x30] =	vst v27;
	v39 =	vld.idx.msk [tilespmem:v39+s20+$0x0], $0xffff;
	v25 =	vadd.f32 v29, v56  }
0x96: {  	[tilespmem:s21+$0xB0] =	vst v46;
	v27 =	vadd.f32 v35, v57;
	v35 =	vld.idx.msk [tilespmem:v41+s20+$0x0], $0xffff  }
0x97: {  	v16 =	vmov v42;
	v21 =	vmov v9;
	v29 =	vor.u32 v6, v51;
	[tilespmem:s21+$0x130] =	vst v25;
	v42 =	vld.idx.msk [tilespmem:v26+s20+$0x0], $0xffff  }
0x98: {  	v41 =	vor.u32 v7, v9;
	v9 =	vadd.s32 $0x1687, v55;
	[tilespmem:s21+$0xFFFFFE30] =	vst v27;
	v27 =	vadd.s32 v44, v23;
	v44 =	vld.idx.msk [tilespmem:v36+s20+$0x0], $0xffff  }
0x99: {  	v25 =	vmul.f32 $8.000000000e+00, v38;
	v38 =	vadd.s32 v9, v5;
	[tilespmem:$0x1FCA0] =	vst v9;
	v9 =	vld [tilespmem:$0x1FE90];
	_ =	sdelay $0x1  }
0x9a: {  	v20 =	vmov v15;
	v15 =	vld [tilespmem:$0x1FDB0];
	v26 =	vmul.f32 $8.000000000e+00, v32  }
0x9b: {  	v0 =	vmov v51;
	v51 =	vadd.f32 v25, v4  }
0x9c: {  	v25 =	vld.idx.msk [tilespmem:v29+s9+$0x0], $0xffff;
	v29 =	vadd.f32 v26, v63  }
0x9d: {  	v36 =	vadd.s32 v9, v23;
	v9 =	vld [tilespmem:$0x1FF90];
	[tilespmem:s21+$0x1C0] =	vst v51  }
0x9e: {  	v26 =	vld.idx.msk [tilespmem:v41+s9+$0x0], $0xffff;
	[tilespmem:s21+$0xFFFFFEC0] =	vst v29  }
0x9f: {  	v37 =	vmul.f32 $8.000000000e+00, v37;
	v41 =	vadd.s32 v15, v13;
	v15 =	vld [tilespmem:$0x1FE20]  }
0xa0: {  	v3 =	vshll.u32 v3, v1  }
0xa1: {  	v3 =	vbroadcast v3, $0x0;
	v40 =	vadd.s32 v24, v23;
	v37 =	vadd.f32 v37, v60  }
0xa2: {  	v39 =	vmul.f32 $8.000000000e+00, v39  }
0xa3: {  	v17 =	vmov v43;
	v43 =	vadd.s32 v55, v3;
	[tilespmem:s21+$0xFFFFFF40] =	vst v37  }
0xa4: {  	v29 =	vadd.f32 v39, v61;
	v39 =	vmul.f32 $8.000000000e+00, v42;
	v42 =	vadd.s32 v15, v2;
	v15 =	vld [tilespmem:$0x1FDF0];
	_ =	sdelay $0x1  }
0xa5: {  	v40 =	vld.idx.msk [tilespmem:v40+s20+$0x0], $0xffff;
	_ =	sdelay $0x1  }
0xa6: {  	v35 =	vmul.f32 $8.000000000e+00, v35;
	v32 =	vld.idx.msk [tilespmem:v43+s20+$0x0], $0xffff  }
0xa7: {  	v43 =	vadd.s32 v47, v31;
	v37 =	vmul.f32 $8.000000000e+00, v44;
	v44 =	vadd.s32 v15, v59;
	v15 =	vld [tilespmem:$0x1FEE0]  }
0xa8: {  	v45 =	vadd.s32 v9, v28  }
0xa9: {  	v47 =	vadd.s32 v48, v12;
	v35 =	vadd.f32 v35, v58;
	v46 =	vld.idx.msk [tilespmem:v38+s20+$0x0], $0xffff;
	v38 =	vmul.f32 $8.000000000e+00, v40  }
0xaa: {  	v51 =	vadd.f32 v37, v56;
	[tilespmem:s21+$0xFFFFFFC0] =	vst v29  }
0xab: {  	v38 =	vadd.f32 v38, v57;
	[tilespmem:s21+$0x40] =	vst v35  }
0xac: {  	s28 =	simm.s32 $0xC;
	v43 =	vld.idx.msk [tilespmem:v43+s20+$0x0], $0xffff;
	[tilespmem:s21+$0x140] =	vst v51;
	v48 =	vadd.s32 v15, v23;
	v23 =	vadd.f32 v39, v62  }
0xad: {  	v30 =	vmov s28;
	v45 =	vld.idx.msk [tilespmem:v45+s20+$0x0], $0xffff;
	[tilespmem:s21+$0xFFFFFE40] =	vst v38  }
0xae: {  	v30 =	vshrl.u32 v30, $0x3;
	v39 =	vld.idx.msk [tilespmem:v47+s20+$0x0], $0xffff;
	[tilespmem:s21+$0xC0] =	vst v23  }
0xaf: {  	v30 =	vshll.u32 v30, v1;
	v22 =	vshll.u32 v22, v1;
	v15 =	vld [tilespmem:$0x1FEF0]  }
0xb0: {  	v30 =	vbroadcast v30, $0x0;
	v47 =	vld.idx.msk [tilespmem:v41+s20+$0x0], $0xffff  }
0xb1: {  	v44 =	vld.idx.msk [tilespmem:v44+s20+$0x0], $0xffff  }
0xb2: {  	v8 =	vbroadcast v22, $0x0;
	v22 =	vmovc v19;
	v19 =	vmovc v11;
	v37 =	vor.u32 v30, v11;
	v11 =	vadd.s32 $0x1B07, v55;
	v42 =	vld.idx.msk [tilespmem:v42+s20+$0x0], $0xffff  }
0xb3: {  	v41 =	vadd.s32 v49, v6;
	v49 =	vadd.s32 v11, v5;
	[tilespmem:$0x1FCB0] =	vst v11;
	v11 =	vld [tilespmem:$0x1FD70]  }
0xb4: {  	v38 =	vadd.s32 v15, v28;
	v15 =	vld [tilespmem:$0x1FF70]  }
0xb5: {  	v46 =	vmul.f32 $8.000000000e+00, v46  }
0xb6: {  	v9 =	vmov v18;
	v45 =	vmul.f32 $8.000000000e+00, v45;
	v18 =	vld [tilespmem:$0x1FFB0]  }
0xb7: {  	v24 =	vmov v50;
	v46 =	vadd.f32 v46, v4;
	v29 =	vor.u32 v8, v50;
	v50 =	vld.idx.msk [tilespmem:v48+s20+$0x0], $0xffff  }
0xb8: {  	v48 =	vadd.f32 v45, v63;
	v35 =	vadd.s32 v11, v31;
	v31 =	vadd.s32 v10, v31;
	v10 =	vld [tilespmem:$0x1FE80]  }
0xb9: {  	v51 =	vadd.s32 v15, v28;
	v15 =	vld [tilespmem:$0x1FFA0];
	[tilespmem:s21+$0x1D0] =	vst v46  }
0xba: {  	[tilespmem:s21+$0xFFFFFED0] =	vst v48  }
0xbb: {  	v43 =	vmul.f32 $8.000000000e+00, v43;
	v11 =	vld [tilespmem:$0x1FF10];
	_ =	sdelay $0x1  }
0xbc: {  	v43 =	vadd.f32 v43, v60;
	_ =	sdelay $0x1  }
0xbd: {  	[tilespmem:s21+$0xFFFFFF50] =	vst v43  }
0xbe: {  	v40 =	vor.u32 v53, v3;
	v23 =	vmovc v53;
	v39 =	vmul.f32 $8.000000000e+00, v39;
	v53 =	vadd.s32 v11, v2;
	v11 =	vld [tilespmem:$0x1FED0];
	_ =	sdelay $0x1  }
0xbf: {  	v28 =	vld.idx.msk [tilespmem:v37+s9+$0x0], $0xffff;
	v37 =	vadd.f32 v39, v61;
	_ =	sdelay $0x1  }
0xc0: {  	[tilespmem:s21+$0xFFFFFFD0] =	vst v37  }
0xc1: {  	v46 =	vmul.f32 $8.000000000e+00, v42;
	v42 =	vadd.s32 v11, v59;
	v11 =	vld [tilespmem:$0x1FD90];
	_ =	sdelay $0x1  }
0xc2: {  	v29 =	vld.idx.msk [tilespmem:v29+s9+$0x0], $0xffff  }
0xc3: {  	v52 =	vadd.s32 v52, v12;
	v41 =	vld.idx.msk [tilespmem:v41+s20+$0x0], $0xffff  }
0xc4: {  	v45 =	vmul.f32 $8.000000000e+00, v47;
	v10 =	vadd.s32 v10, v13;
	v48 =	vld.idx.msk [tilespmem:v49+s20+$0x0], $0xffff  }
0xc5: {  	v39 =	vadd.s32 v11, v12;
	v11 =	vld [tilespmem:$0x1FF40]  }
0xc6: {  	v43 =	vadd.f32 v45, v58;
	v45 =	vld.idx.msk [tilespmem:v31+s20+$0x0], $0xffff  }
0xc7: {  	v47 =	vld.idx.msk [tilespmem:v51+s20+$0x0], $0xffff  }
0xc8: {  	v31 =	vadd.f32 v46, v62;
	v46 =	vld.idx.msk [tilespmem:v52+s20+$0x0], $0xffff;
	[tilespmem:s21+$0x50] =	vst v43  }
0xc9: {  	v43 =	vld.idx.msk [tilespmem:v10+s20+$0x0], $0xffff  }
0xca: {  	v10 =	vadd.s32 $0x1F86, v55;
	v49 =	vadd.s32 v11, v7;
	v11 =	vld [tilespmem:$0x1FDD0];
	[tilespmem:s21+$0xD0] =	vst v31  }
0xcb: {  	[tilespmem:$0x1FCC0] =	vst v10;
	v10 =	vld [tilespmem:$0x1FDC0];
	_ =	sdelay $0x2  }
0xcc: {  	v51 =	vmul.f32 $8.000000000e+00, v50;
	_ =	sdelay $0x1  }
0xcd: {  	v52 =	vadd.f32 v51, v57;
	v51 =	vadd.s32 v10, v30;
	v10 =	vld [tilespmem:$0x1FDA0]  }
0xce: {  	v44 =	vmul.f32 $8.000000000e+00, v44;
	_ =	sdelay $0x1  }
0xcf: {  	v12 =	vadd.f32 v44, v56  }
0xd0: {  	s24 =	simm.s32 $0x10;
	s31 =	sshll.u32 s18, $0xD  }
0xd1: {  	s22 =	sor.u32 $0xDE00, s31;
	s23 =	smov.u32 s21;
	s25 =	simm.s32 $0xF;
	v44 =	vld.idx.msk [tilespmem:v53+s20+$0x0], $0xffff;
	v50 =	vadd.s32 v11, v8;
	[tilespmem:s21+$0x150] =	vst v12;
	v37 =	vadd.s32 v10, v13;
	v13 =	vadd.s32 $0x1F87, v55  }
.LBB2_3:
0xd2: {  	v10 =	vld [tilespmem:$0x1FD80];
	_ =	sdelay $0x3  }
0xd3: {  	v53 =	vmov s25;
	[tilespmem:s21+$0xFFFFFE50] =	vst v52;
	v52 =	vadd.s32 v13, v5  }
0xd4: {  	v5 =	vshrl.u32 v53, $0x3;
	v53 =	vmul.f32 $8.000000000e+00, v47;
	v47 =	vadd.s32 v10, v2;
	v10 =	vld [tilespmem:$0x1FC20]  }
0xd5: {  	v48 =	vmul.f32 $8.000000000e+00, v48  }
0xd6: {  	v2 =	vshll.u32 v5, v1  }
0xd7: {  	v48 =	vadd.f32 v48, v4;
	v5 =	vbroadcast v2, $0x0;
	_ =	sdelay $0x1  }
0xd8: {  	[tilespmem:s21+$0x1E0] =	vst v48;
	v48 =	vadd.s32 v10, v5;
	v10 =	vld [tilespmem:$0x1FCC0]  }
0xd9: {  	v45 =	vmul.f32 $8.000000000e+00, v45;
	_ =	sdelay $0x1  }
0xda: {  	v45 =	vadd.f32 v45, v60  }
0xdb: {  	v49 =	vld.idx.msk [tilespmem:v49+s20+$0x0], $0xffff  }
0xdc: {  	[tilespmem:s21+$0xFFFFFF60] =	vst v45;
	v45 =	vadd.s32 v10, v59;
	v10 =	vld [tilespmem:$0x1FC30];
	_ =	sdelay $0x3  }
0xdd: {  	v2 =	vadd.f32 v53, v63;
	v53 =	vmul.f32 $8.000000000e+00, v46;
	v46 =	vld.idx.msk [tilespmem:v51+s20+$0x0], $0xffff  }
0xde: {  	v51 =	vor.u32 v5, v10;
	v10 =	vld [tilespmem:$0x1FE10]  }
0xdf: {  	v31 =	vmov v30;
	v30 =	vld.idx.msk [tilespmem:v36+s20+$0x0], $0xffff;
	v36 =	vmul.f32 $8.000000000e+00, v44;
	_ =	sdelay $0x1  }
0xe0: {  	v43 =	vmul.f32 $8.000000000e+00, v43;
	v36 =	vadd.f32 v36, v62;
	_ =	sdelay $0x1  }
0xe1: {  	v43 =	vadd.f32 v43, v58;
	[tilespmem:s21+$0xE0] =	vst v36;
	v36 =	vadd.s32 v10, v8;
	v10 =	vld [tilespmem:$0x1FE30]  }
0xe2: {  	[tilespmem:s21+$0xFFFFFEE0] =	vst v2;
	v2 =	vadd.f32 v53, v61  }
0xe3: {  	[tilespmem:s21+$0x60] =	vst v43  }
0xe4: {  	v50 =	vld.idx.msk [tilespmem:v50+s20+$0x0], $0xffff;
	[tilespmem:s21+$0xFFFFFFE0] =	vst v2;
	v2 =	vbroadcast v33, $0x0  }
0xe5: {  	v59 =	vbroadcast v34, $0x0;
	v34 =	vld.idx.msk [tilespmem:v37+s20+$0x0], $0xffff  }
0xe6: {  	v37 =	vadd.s32 v10, v2;
	v10 =	vld [tilespmem:$0x1FE00];
	_ =	sdelay $0x3  }
0xe7: {  	v33 =	vld.idx.msk [tilespmem:v39+s20+$0x0], $0xffff  }
0xe8: {  	v39 =	vadd.s32 v10, v31;
	v10 =	vld [tilespmem:$0x1FF30];
	_ =	sdelay $0x3  }
0xe9: {  	v43 =	vld.idx.msk [tilespmem:v48+s20+$0x0], $0xffff  }
0xea: {  	v30 =	vmul.f32 $8.000000000e+00, v30;
	v48 =	vadd.s32 v10, v59;
	v10 =	vld [tilespmem:$0x1FC40]  }
0xeb: {  	v42 =	vld.idx.msk [tilespmem:v42+s20+$0x0], $0xffff  }
0xec: {  	v30 =	vadd.f32 v30, v57;
	_ =	sdelay $0x1  }
0xed: {  	[tilespmem:s21+$0xFFFFFE60] =	vst v30;
	v30 =	vld.idx.msk [tilespmem:v47+s20+$0x0], $0xffff  }
0xee: {  	v47 =	vor.u32 v2, v10;
	v10 =	vld [tilespmem:$0x1FDE0]  }
0xef: {  	v42 =	vmul.f32 $8.000000000e+00, v42;
	_ =	sdelay $0x1  }
0xf0: {  	v53 =	vadd.f32 v42, v56;
	_ =	sdelay $0x1  }
0xf1: {  	[tilespmem:s21+$0x160] =	vst v53;
	v53 =	vadd.s32 v10, v2;
	v10 =	vld [tilespmem:$0x1FC50]  }
0xf2: {  	v38 =	vld.idx.msk [tilespmem:v38+s20+$0x0], $0xffff  }
0xf3: {  	v35 =	vld.idx.msk [tilespmem:v35+s20+$0x0], $0xffff  }
0xf4: {  	v44 =	vld.idx.msk [tilespmem:v52+s20+$0x0], $0xffff;
	_ =	sdelay $0x1  }
0xf5: {  	v12 =	vmov v54;
	v52 =	vadd.s32 v54, v6;
	v54 =	vor.u32 v59, v10;
	v10 =	vld [tilespmem:$0x1FD30]  }
0xf6: {  	v38 =	vmul.f32 $8.000000000e+00, v38  }
0xf7: {  	v35 =	vmul.f32 $8.000000000e+00, v35  }
0xf8: {  	v44 =	vmul.f32 $8.000000000e+00, v44;
	v38 =	vadd.f32 v38, v63;
	v63 =	vmov v25;
	v25 =	vld.idx.msk [tilespmem:v37+s20+$0x0], $0xffff  }
0xf9: {  	v35 =	vadd.f32 v35, v60;
	v60 =	vmov v26;
	v26 =	vld.idx.msk [tilespmem:v48+s20+$0x0], $0xffff  }
0xfa: {  	v4 =	vadd.f32 v44, v4;
	v44 =	vadd.s32 v10, v59;
	v10 =	vld [tilespmem:$0x1FC60]  }
0xfb: {  	v33 =	vmul.f32 $8.000000000e+00, v33;
	v48 =	vmul.f32 $8.000000000e+00, v41;
	v41 =	vld.idx.msk [tilespmem:v47+s9+$0x0], $0xffff;
	_ =	sdelay $0x1  }
0xfc: {  	[tilespmem:s21+$0xFFFFFF70] =	vst v35;
	v33 =	vadd.f32 v33, v61  }
0xfd: {  	[tilespmem:s21+$0xFFFFFEF0] =	vst v38;
	v25 =	vmul.f32 $8.000000000e+00, v25  }
0xfe: {  	[tilespmem:s21+$0xFFFFFFF0] =	vst v33;
	v38 =	vadd.f32 v48, v63;
	v37 =	vadd.s32 v10, v5;
	v10 =	vld [tilespmem:$0x1FC70]  }
0xff: {  	v51 =	vld.idx.msk [tilespmem:v51+s9+$0x0], $0xffff;
	[tilespmem:s21+$0x1F0] =	vst v4;
	s21 =	sadd.s32 $0x400, s21;
	v25 =	vadd.f32 v25, v41  }
0x100: {  	[tilespmem:s21+$0xFFFFFE80] =	vst v38  }
0x101: {  	v61 =	vmov v29;
	v29 =	vmul.f32 $8.000000000e+00, v49;
	v49 =	vld.idx.msk [tilespmem:v52+s20+$0x0], $0xffff;
	[tilespmem:s21+$0x80] =	vst v25  }
0x102: {  	v34 =	vmul.f32 $8.000000000e+00, v34;
	v11 =	vmul.f32 $8.000000000e+00, v43;
	v52 =	vld.idx.msk [tilespmem:v53+s20+$0x0], $0xffff  }
0x103: {  	v53 =	vadd.s32 v10, v5;
	v10 =	vld [tilespmem:$0x1FF20]  }
0x104: {  	v34 =	vadd.f32 v34, v58;
	v58 =	vadd.f32 v11, v51;
	_ =	sdelay $0x1  }
0x105: {  	v42 =	vadd.s32 v15, v7;
	v33 =	vld.idx.msk [tilespmem:v40+s9+$0x0], $0xffff;
	[tilespmem:s21+$0x180] =	vst v58  }
0x106: {  	v46 =	vmul.f32 $8.000000000e+00, v46;
	v29 =	vadd.f32 v29, v60;
	v48 =	vld.idx.msk [tilespmem:v37+s20+$0x0], $0xffff  }
0x107: {  	v58 =	vmov v28;
	v40 =	vadd.s32 v10, v7;
	v10 =	vld [tilespmem:$0x1FE40]  }
0x108: {  	v50 =	vmul.f32 $8.000000000e+00, v50;
	v27 =	vld.idx.msk [tilespmem:v27+s20+$0x0], $0xffff;
	[tilespmem:s21+$0xFFFFFF00] =	vst v29;
	v29 =	vadd.f32 v46, v58  }
0x109: {  	v32 =	vmul.f32 $8.000000000e+00, v32;
	[tilespmem:s23+$0x70] =	vst v34;
	v4 =	vmov v51  }
0x10a: {  	v51 =	vld.idx.msk [tilespmem:v42+s20+$0x0], $0xffff;
	v28 =	vadd.f32 v50, v61;
	v50 =	vadd.s32 v18, v3;
	[tilespmem:s21+$0x0] =	vst v29;
	v37 =	vmul.f32 $8.000000000e+00, v49  }
0x10b: {  	v30 =	vmul.f32 $8.000000000e+00, v30;
	v32 =	vadd.f32 v32, v33;
	v39 =	vld.idx.msk [tilespmem:v39+s20+$0x0], $0xffff  }
0x10c: {  	v35 =	vmul.f32 $8.000000000e+00, v48;
	v48 =	vadd.f32 v37, v63;
	v37 =	vadd.s32 v10, v8;
	v10 =	vld [tilespmem:$0x1FCD0]  }
0x10d: {  	v27 =	vmul.f32 $8.000000000e+00, v27;
	v30 =	vadd.f32 v30, v62  }
0x10e: {  	v45 =	vld.idx.msk [tilespmem:v45+s20+$0x0], $0xffff;
	[tilespmem:s21+$0xFFFFFE00] =	vst v32  }
0x10f: {  	v27 =	vadd.f32 v27, v57;
	v38 =	vld.idx.msk [tilespmem:v50+s20+$0x0], $0xffff;
	[tilespmem:s23+$0xF0] =	vst v30;
	v30 =	vmul.f32 $8.000000000e+00, v51  }
0x110: {  	v54 =	vld.idx.msk [tilespmem:v54+s9+$0x0], $0xffff  }
0x111: {  	[tilespmem:s23+$0xFFFFFE70] =	vst v27;
	v27 =	vadd.f32 v30, v60;
	v30 =	vmul.f32 $8.000000000e+00, v39;
	v39 =	vadd.s32 v10, v31;
	v10 =	vld [tilespmem:$0x1FD00]  }
0x112: {  	[tilespmem:s21+$0xFFFFFF80] =	vst v28  }
0x113: {  	v45 =	vmul.f32 $8.000000000e+00, v45;
	v36 =	vld.idx.msk [tilespmem:v36+s20+$0x0], $0xffff;
	v26 =	vmul.f32 $8.000000000e+00, v26;
	_ =	sdelay $0x1  }
0x114: {  	v34 =	vadd.f32 v45, v56;
	v26 =	vadd.f32 v26, v54;
	v56 =	vmovc v54;
	v54 =	vadd.s32 v9, v6  }
0x115: {  	v35 =	vadd.f32 v35, v4;
	v51 =	vadd.s32 v10, v2;
	v10 =	vld [tilespmem:$0x1FD40]  }
0x116: {  	[tilespmem:s21+$0x100] =	vst v26  }
0x117: {  	v36 =	vmul.f32 $8.000000000e+00, v36;
	v32 =	vld.idx.msk [tilespmem:v44+s20+$0x0], $0xffff;
	[tilespmem:s21+$0x190] =	vst v35  }
0x118: {  	v50 =	vmul.f32 $8.000000000e+00, v52;
	[tilespmem:s21+$0xFFFFFE90] =	vst v48;
	v52 =	vld.idx.msk [tilespmem:v53+s20+$0x0], $0xffff  }
0x119: {  	v49 =	vadd.f32 v36, v61;
	v53 =	vld.idx.msk [tilespmem:v54+s20+$0x0], $0xffff  }
0x11a: {  	v62 =	vmov v41;
	v54 =	vadd.s32 v10, v59;
	v10 =	vld [tilespmem:$0x1FC80]  }
0x11b: {  	[tilespmem:s21+$0xFFFFFF90] =	vst v49;
	v49 =	vadd.f32 v50, v62  }
0x11c: {  	[tilespmem:s21+$0xFFFFFF10] =	vst v27  }
0x11d: {  	v38 =	vmul.f32 $8.000000000e+00, v38;
	[tilespmem:s21+$0x90] =	vst v49  }
0x11e: {  	v27 =	vadd.f32 v30, v58;
	[tilespmem:s23+$0x170] =	vst v34;
	v30 =	vmul.f32 $8.000000000e+00, v32;
	v48 =	vadd.s32 v22, v3;
	v34 =	vld.idx.msk [tilespmem:v51+s20+$0x0], $0xffff  }
0x11f: {  	v57 =	vmov v33;
	v51 =	vmul.f32 $8.000000000e+00, v52;
	v52 =	vadd.s32 v10, v5;
	v10 =	vld [tilespmem:$0x1FF80]  }
0x120: {  	[tilespmem:s21+$0x10] =	vst v27;
	v27 =	vadd.f32 v30, v56;
	v30 =	vadd.f32 v38, v57;
	_ =	sdelay $0x1  }
0x121: {  	[tilespmem:s21+$0xFFFFFE10] =	vst v30;
	v50 =	vld.idx.msk [tilespmem:v39+s20+$0x0], $0xffff  }
0x122: {  	v39 =	vld.idx.msk [tilespmem:v48+s20+$0x0], $0xffff  }
0x123: {  	v48 =	vadd.s32 v10, v7;
	v10 =	vld [tilespmem:$0x1FEC0];
	_ =	sdelay $0x4  }
0x124: {  	v49 =	vadd.s32 v10, v8;
	v10 =	vld [tilespmem:$0x1FCE0];
	_ =	sdelay $0x4  }
0x125: {  	v45 =	vadd.s32 v10, v31;
	v10 =	vld [tilespmem:$0x1FD10];
	_ =	sdelay $0x4  }
0x126: {  	[tilespmem:s21+$0x110] =	vst v27;
	v32 =	vadd.f32 v51, v4;
	v51 =	vadd.s32 v10, v2;
	v10 =	vld [tilespmem:$0x1FD50]  }
0x127: {  	v53 =	vmul.f32 $8.000000000e+00, v53;
	v30 =	vld.idx.msk [tilespmem:v54+s20+$0x0], $0xffff;
	v54 =	vadd.s32 v20, v6;
	_ =	sdelay $0x1  }
0x128: {  	v40 =	vld.idx.msk [tilespmem:v40+s20+$0x0], $0xffff;
	v41 =	vadd.f32 v53, v63;
	[tilespmem:s21+$0x1A0] =	vst v32  }
0x129: {  	v34 =	vmul.f32 $8.000000000e+00, v34;
	v36 =	vld.idx.msk [tilespmem:v52+s20+$0x0], $0xffff  }
0x12a: {  	s26 =	sadd.s32 $0x1, s24;
	[tilespmem:s21+$0xFFFFFEA0] =	vst v41;
	v38 =	vmul.f32 $8.000000000e+00, v50;
	v52 =	vadd.s32 v10, v59;
	v10 =	vld [tilespmem:$0x1FC90]  }
0x12b: {  	s30 =	sadd.s32 $0x5, s24;
	v29 =	vmov s26;
	s26 =	sadd.s32 $0x3, s24;
	v41 =	vld.idx.msk [tilespmem:v54+s20+$0x0], $0xffff;
	v54 =	vadd.f32 v34, v62  }
0x12c: {  	v43 =	vmov s30;
	v33 =	vmov s26;
	v38 =	vadd.f32 v38, v58  }
0x12d: {  	v33 =	vshrl.u32 v33, $0x3;
	v27 =	vshrl.u32 v43, $0x3;
	v37 =	vld.idx.msk [tilespmem:v37+s20+$0x0], $0xffff;
	[tilespmem:s21+$0xA0] =	vst v54  }
0x12e: {  	v40 =	vmul.f32 $8.000000000e+00, v40;
	[tilespmem:s21+$0x20] =	vst v38;
	v38 =	vshll.u32 v33, v1;
	v33 =	vshll.u32 v27, v1;
	v27 =	vld.idx.msk [tilespmem:v51+s20+$0x0], $0xffff  }
0x12f: {  	v51 =	vadd.s32 v10, v5;
	v10 =	vld [tilespmem:$0x1FE50]  }
0x130: {  	v40 =	vadd.f32 v40, v60  }
0x131: {  	s31 =	sadd.s32 $0x6, s24  }
0x132: {  	v35 =	vmov s31;
	[tilespmem:s21+$0xFFFFFF20] =	vst v40;
	v37 =	vmul.f32 $8.000000000e+00, v37  }
0x133: {  	v43 =	vld.idx.msk [tilespmem:v48+s20+$0x0], $0xffff;
	v48 =	vshrl.u32 v35, $0x3  }
0x134: {  	v50 =	vadd.f32 v37, v61;
	v34 =	vshll.u32 v48, v1;
	v48 =	vadd.s32 v10, v7;
	v10 =	vld [tilespmem:$0x1FCF0];
	_ =	sdelay $0x1  }
0x135: {  	[tilespmem:s21+$0xFFFFFFA0] =	vst v50  }
0x136: {  	v49 =	vld.idx.msk [tilespmem:v49+s20+$0x0], $0xffff  }
0x137: {  	v44 =	vld.idx.msk [tilespmem:v45+s20+$0x0], $0xffff  }
0x138: {  	v45 =	vadd.s32 v10, v31;
	v10 =	vld [tilespmem:$0x1FD20];
	_ =	sdelay $0x1  }
0x139: {  	v39 =	vmul.f32 $8.000000000e+00, v39;
	v30 =	vmul.f32 $8.000000000e+00, v30  }
0x13a: {  	v53 =	vadd.s32 v14, v3;
	v50 =	vmul.f32 $8.000000000e+00, v36;
	v35 =	vmul.f32 $8.000000000e+00, v49  }
0x13b: {  	v39 =	vadd.f32 v39, v57;
	v30 =	vadd.f32 v30, v56  }
0x13c: {  	v32 =	vadd.f32 v50, v4;
	v50 =	vadd.f32 v35, v61;
	v35 =	vadd.s32 v10, v2;
	v10 =	vld [tilespmem:$0x1FD60]  }
0x13d: {  	[tilespmem:s21+$0x120] =	vst v30;
	v47 =	vmul.f32 $8.000000000e+00, v43  }
0x13e: {  	[tilespmem:s21+$0xFFFFFE20] =	vst v39;
	v30 =	vld.idx.msk [tilespmem:v52+s20+$0x0], $0xffff  }
0x13f: {  	v52 =	vld.idx.msk [tilespmem:v53+s20+$0x0], $0xffff;
	v53 =	vmul.f32 $8.000000000e+00, v41;
	v41 =	vadd.f32 v47, v60;
	_ =	sdelay $0x1  }
0x140: {  	[tilespmem:s21+$0xFFFFFF30] =	vst v41;
	v41 =	vadd.s32 v10, v59;
	v10 =	vld [tilespmem:$0x1FE60];
	_ =	sdelay $0x4  }
0x141: {  	v37 =	vmul.f32 $8.000000000e+00, v52;
	v52 =	vadd.s32 v10, v3;
	v10 =	vld [tilespmem:$0x1FE70]  }
0x142: {  	v27 =	vmul.f32 $8.000000000e+00, v27  }
0x143: {  	s28 =	sadd.s32 $0x2, s24  }
0x144: {  	v25 =	vmov s28;
	v27 =	vadd.f32 v27, v62  }
0x145: {  	v25 =	vshrl.u32 v25, $0x3;
	v30 =	vmul.f32 $8.000000000e+00, v30  }
0x146: {  	v25 =	vshll.u32 v25, v1;
	[tilespmem:s21+$0xB0] =	vst v27;
	v27 =	vadd.s32 v10, v3;
	v10 =	vld [tilespmem:$0x1FCA0]  }
0x147: {  	v46 =	vbroadcast v25, $0x0;
	v25 =	vadd.f32 v30, v56  }
0x148: {  	[tilespmem:s21+$0x1B0] =	vst v32;
	v37 =	vadd.f32 v37, v57  }
0x149: {  	v36 =	vld.idx.msk [tilespmem:v51+s20+$0x0], $0xffff;
	[tilespmem:s21+$0x130] =	vst v25  }
0x14a: {  	v54 =	vadd.s32 v17, v6;
	[tilespmem:s21+$0xFFFFFE30] =	vst v37;
	v37 =	vld.idx.msk [tilespmem:v41+s20+$0x0], $0xffff  }
0x14b: {  	v41 =	vadd.s32 v10, v5;
	v10 =	vld [tilespmem:$0x1FE90]  }
0x14c: {  	v39 =	vadd.f32 v53, v63;
	_ =	sdelay $0x1  }
0x14d: {  	[tilespmem:s21+$0xFFFFFEB0] =	vst v39  }
0x14e: {  	v39 =	vld.idx.msk [tilespmem:v54+s20+$0x0], $0xffff  }
0x14f: {  	v25 =	vmul.f32 $8.000000000e+00, v36;
	v36 =	vadd.s32 v10, v3;
	v10 =	vld [tilespmem:$0x1FF90]  }
0x150: {  	s29 =	sadd.s32 $0x4, s24  }
0x151: {  	v26 =	vmov s29  }
0x152: {  	v26 =	vshrl.u32 v26, $0x3  }
0x153: {  	v29 =	vshrl.u32 v29, $0x3;
	v26 =	vshll.u32 v26, v1  }
0x154: {  	v30 =	vbroadcast v26, $0x0;
	v26 =	vmul.f32 $8.000000000e+00, v39;
	v39 =	vadd.s32 v10, v6;
	v10 =	vld [tilespmem:$0x1FEA0]  }
0x155: {  	v29 =	vshll.u32 v29, v1  }
0x156: {  	v29 =	vbroadcast v29, $0x0;
	v44 =	vmul.f32 $8.000000000e+00, v44  }
0x157: {  	v28 =	vmov s24  }
0x158: {  	v28 =	vshrl.u32 v28, $0x3;
	v51 =	vadd.f32 v44, v58;
	v54 =	vor.u32 v29, v0  }
0x159: {  	v28 =	vshll.u32 v28, v1;
	v47 =	vadd.s32 v10, v7;
	v10 =	vld [tilespmem:$0x1FEB0]  }
0x15a: {  	v28 =	vbroadcast v28, $0x0;
	[tilespmem:s21+$0x30] =	vst v51  }
0x15b: {  	v49 =	vadd.s32 v16, v8;
	[tilespmem:s21+$0xFFFFFFB0] =	vst v50;
	v50 =	vbroadcast v38, $0x0;
	v38 =	vld.idx.msk [tilespmem:v45+s20+$0x0], $0xffff  }
0x15c: {  	v53 =	vadd.s32 v55, v28;
	v44 =	vld.idx.msk [tilespmem:v52+s20+$0x0], $0xffff  }
0x15d: {  	v45 =	vor.u32 v46, v21;
	v52 =	vadd.f32 v25, v4;
	v25 =	vld.idx.msk [tilespmem:v54+s9+$0x0], $0xffff  }
0x15e: {  	v54 =	vadd.s32 v10, v8;
	v10 =	vld [tilespmem:$0x1FDB0];
	_ =	sdelay $0x1  }
0x15f: {  	v43 =	vld.idx.msk [tilespmem:v49+s20+$0x0], $0xffff  }
0x160: {  	v32 =	vld.idx.msk [tilespmem:v53+s20+$0x0], $0xffff  }
0x161: {  	v53 =	vadd.f32 v26, v63;
	v26 =	vld.idx.msk [tilespmem:v45+s9+$0x0], $0xffff  }
0x162: {  	v45 =	vadd.s32 v10, v31;
	v10 =	vld [tilespmem:$0x1FE20]  }
0x163: {  	v42 =	vld.idx.msk [tilespmem:v48+s20+$0x0], $0xffff;
	_ =	sdelay $0x1  }
0x164: {  	v43 =	vmul.f32 $8.000000000e+00, v43;
	_ =	sdelay $0x1  }
0x165: {  	[tilespmem:s21+$0xFFFFFEC0] =	vst v53;
	v53 =	vadd.f32 v43, v61;
	v43 =	vadd.s32 v10, v2;
	v10 =	vld [tilespmem:$0x1FDF0]  }
0x166: {  	v42 =	vmul.f32 $8.000000000e+00, v42;
	_ =	sdelay $0x1  }
0x167: {  	v42 =	vadd.f32 v42, v60;
	_ =	sdelay $0x1  }
0x168: {  	[tilespmem:s21+$0xFFFFFF40] =	vst v42;
	v42 =	vadd.s32 v10, v59;
	v10 =	vld [tilespmem:$0x1FEE0];
	_ =	sdelay $0x3  }
0x169: {  	v38 =	vmul.f32 $8.000000000e+00, v38  }
0x16a: {  	v48 =	vadd.s32 v10, v3;
	v10 =	vld [tilespmem:$0x1FF00]  }
0x16b: {  	v38 =	vadd.f32 v38, v58  }
0x16c: {  	[tilespmem:s21+$0xFFFFFFC0] =	vst v53;
	v44 =	vmul.f32 $8.000000000e+00, v44  }
0x16d: {  	[tilespmem:s21+$0x40] =	vst v38;
	v49 =	vld.idx.msk [tilespmem:v54+s20+$0x0], $0xffff  }
0x16e: {  	v54 =	vadd.f32 v44, v57;
	v44 =	vld.idx.msk [tilespmem:v45+s20+$0x0], $0xffff  }
0x16f: {  	v45 =	vadd.s32 v10, v29;
	v10 =	vld [tilespmem:$0x1FEF0];
	_ =	sdelay $0x3  }
0x170: {  	v37 =	vmul.f32 $8.000000000e+00, v37  }
0x171: {  	v38 =	vadd.s32 v10, v6;
	v10 =	vld [tilespmem:$0x1FCB0]  }
0x172: {  	v37 =	vadd.f32 v37, v56;
	_ =	sdelay $0x1  }
0x173: {  	[tilespmem:s21+$0x140] =	vst v37  }
0x174: {  	v37 =	vld.idx.msk [tilespmem:v42+s20+$0x0], $0xffff  }
0x175: {  	v42 =	vadd.s32 v10, v5;
	v10 =	vld [tilespmem:$0x1FF70]  }
0x176: {  	v35 =	vld.idx.msk [tilespmem:v35+s20+$0x0], $0xffff;
	_ =	sdelay $0x3  }
0x177: {  	v51 =	vor.u32 v50, v24;
	v53 =	vadd.s32 v10, v6;
	v6 =	vld [tilespmem:$0x1FD70]  }
0x178: {  	v35 =	vmul.f32 $8.000000000e+00, v35;
	v10 =	vld [tilespmem:$0x1FF60];
	_ =	sdelay $0x1  }
0x179: {  	v35 =	vadd.f32 v35, v62;
	_ =	sdelay $0x1  }
0x17a: {  	[tilespmem:s21+$0xC0] =	vst v35;
	v35 =	vadd.s32 v6, v7;
	v6 =	vmov v29;
	v29 =	vld.idx.msk [tilespmem:v51+s9+$0x0], $0xffff  }
0x17b: {  	v51 =	vadd.s32 v10, v7;
	v10 =	vld [tilespmem:$0x1FF50]  }
0x17c: {  	[tilespmem:s21+$0x1C0] =	vst v52;
	v39 =	vld.idx.msk [tilespmem:v39+s20+$0x0], $0xffff  }
0x17d: {  	v41 =	vld.idx.msk [tilespmem:v41+s20+$0x0], $0xffff  }
0x17e: {  	v47 =	vld.idx.msk [tilespmem:v47+s20+$0x0], $0xffff  }
0x17f: {  	v3 =	vmov v28;
	v28 =	vor.u32 v30, v19  }
0x180: {  	[tilespmem:s21+$0xFFFFFE40] =	vst v54;
	v54 =	vadd.s32 v10, v8;
	v10 =	vld [tilespmem:$0x1FE80]  }
0x181: {  	v39 =	vmul.f32 $8.000000000e+00, v39  }
0x182: {  	v41 =	vmul.f32 $8.000000000e+00, v41;
	v43 =	vld.idx.msk [tilespmem:v43+s20+$0x0], $0xffff  }
0x183: {  	v39 =	vadd.f32 v39, v63;
	v47 =	vmul.f32 $8.000000000e+00, v47;
	v52 =	vld.idx.msk [tilespmem:v48+s20+$0x0], $0xffff  }
0x184: {  	v11 =	vmov v55;
	v48 =	vadd.f32 v41, v4;
	v28 =	vld.idx.msk [tilespmem:v28+s9+$0x0], $0xffff  }
0x185: {  	v44 =	vmul.f32 $8.000000000e+00, v44;
	v41 =	vld.idx.msk [tilespmem:v45+s20+$0x0], $0xffff;
	v45 =	vadd.f32 v47, v60;
	[tilespmem:s21+$0xFFFFFED0] =	vst v39;
	v55 =	vadd.s32 v10, v31  }
0x186: {  	v47 =	vld.idx.msk [tilespmem:v53+s20+$0x0], $0xffff  }
0x187: {  	v44 =	vadd.f32 v44, v58;
	[tilespmem:s21+$0xFFFFFF50] =	vst v45;
	v53 =	vld [tilespmem:$0x1FD90]  }
0x188: {  	v43 =	vmul.f32 $8.000000000e+00, v43;
	v45 =	vld.idx.msk [tilespmem:v51+s20+$0x0], $0xffff  }
0x189: {  	v49 =	vmul.f32 $8.000000000e+00, v49;
	[tilespmem:s21+$0x50] =	vst v44;
	v10 =	vld [tilespmem:$0x1FF10]  }
0x18a: {  	v51 =	vadd.f32 v43, v62;
	v43 =	vld.idx.msk [tilespmem:v55+s20+$0x0], $0xffff  }
0x18b: {  	v39 =	vadd.f32 v49, v61;
	v55 =	vmov v11;
	v11 =	vld [tilespmem:$0x1FDC0]  }
0x18c: {  	v49 =	vld [tilespmem:$0x1FED0]  }
0x18d: {  	[tilespmem:s21+$0xFFFFFFD0] =	vst v39;
	v39 =	vadd.s32 v53, v8;
	v8 =	vld [tilespmem:$0x1FF40]  }
0x18e: {  	v7 =	vmov v46;
	v46 =	vld.idx.msk [tilespmem:v54+s20+$0x0], $0xffff  }
0x18f: {  	v54 =	vmov v12;
	v12 =	vld [tilespmem:$0x1FDD0]  }
0x190: {  	p1 =	slt.u32 s24, $0x38;
	[tilespmem:s21+$0xD0] =	vst v51;
	v10 =	vadd.s32 v10, v2;
	v51 =	vadd.s32 v11, v30;
	v11 =	vld [tilespmem:$0x1FDA0]  }
.Ltmp0:
0x191: {  	v37 =	vmul.f32 $8.000000000e+00, v37;
	v52 =	vmul.f32 $8.000000000e+00, v52;
	(pc) =	sbr.rel @p1 .LBB2_3-.Ltmp0, $4  }
0x192: {  	_ = 	snop  }
0x193: {  	v40 =	vor.u32 v23, v3;
	[tilespmem:s21+$0x1D0] =	vst v48;
	v52 =	vadd.f32 v52, v57;
	v53 =	vadd.f32 v37, v56  }
0x194: {  	v48 =	vld.idx.msk [tilespmem:v42+s20+$0x0], $0xffff;
	v42 =	vadd.s32 v49, v59;
	v49 =	vadd.s32 v8, v7;
	v8 =	vmov v50  }
0x195: {  	s25 =	sadd.s32 $0x7, s24;
	s24 =	sadd.s32 $0x8, s24;
	s23 =	smov.u32 s21;
	[tilespmem:s21+$0x150] =	vst v53;
	v50 =	vadd.s32 v12, v8;
	v44 =	vld.idx.msk [tilespmem:v10+s20+$0x0], $0xffff;
	v37 =	vadd.s32 v11, v31  }
0x196: {  	v0 =	vmov s25  }
0x197: {  	v0 =	vshrl.u32 v0, $0x3  }
0x198: {  	v0 =	vshll.u32 v0, v1  }
0x199: {  	v24 =	vbroadcast v0, $0x0;
	v0 =	vld [tilespmem:$0x1FC20];
	_ =	sdelay $0x4  }
0x19a: {  	v0 =	vadd.s32 v0, v24;
	_ =	sdelay $0x3  }
0x19b: {  	[tilespmem:$0x1FC10] =	vst v24  }
0x19c: {  	v11 =	vld.idx.msk [tilespmem:v0+s20+$0x0], $0xffff  }
0x19d: {  	v0 =	vld.idx.msk [tilespmem:v49+s20+$0x0], $0xffff;
	_ =	sdelay $0x1  }
0x19e: {  	v10 =	vld [tilespmem:$0x1FC30];
	_ =	sdelay $0x2  }
0x19f: {  	[tilespmem:$0x1FC00] =	vst v0;
	v0 =	vld [tilespmem:$0x1FF30];
	_ =	sdelay $0x1  }
0x1a0: {  	v53 =	vor.u32 v24, v10;
	v10 =	vld [tilespmem:$0x1FE30]  }
0x1a1: {  	v21 =	vbroadcast v34, $0x0;
	_ =	sdelay $0x1  }
0x1a2: {  	v23 =	vbroadcast v33, $0x0;
	v33 =	vadd.s32 v0, v21;
	v0 =	vld [tilespmem:$0x1FC40];
	_ =	sdelay $0x1  }
0x1a3: {  	v10 =	vadd.s32 v10, v23;
	_ =	sdelay $0x1  }
0x1a4: {  	v19 =	vld [tilespmem:$0x1FC50]  }
0x1a5: {  	v12 =	vor.u32 v23, v0;
	v0 =	vld.idx.msk [tilespmem:v53+s9+$0x0], $0xffff;
	v53 =	vmul.f32 $8.000000000e+00, v48  }
0x1a6: {  	v34 =	vld.idx.msk [tilespmem:v50+s20+$0x0], $0xffff  }
0x1a7: {  	v50 =	vadd.f32 v53, v4;
	v53 =	vld.idx.msk [tilespmem:v10+s20+$0x0], $0xffff  }
0x1a8: {  	v10 =	vmul.f32 $8.000000000e+00, v11;
	v11 =	vld [tilespmem:$0x1FC60];
	_ =	sdelay $0x2  }
0x1a9: {  	v47 =	vmul.f32 $8.000000000e+00, v47  }
0x1aa: {  	v31 =	vor.u32 v21, v19;
	[tilespmem:s21+$0xFFFFFE50] =	vst v52  }
0x1ab: {  	[tilespmem:s21+$0x1E0] =	vst v50;
	v19 =	vld.idx.msk [tilespmem:v12+s9+$0x0], $0xffff;
	v49 =	vadd.s32 v11, v24;
	v11 =	vadd.f32 v47, v63  }
0x1ac: {  	v12 =	vld [tilespmem:$0x1FC00];
	v24 =	vadd.f32 v10, v0  }
0x1ad: {  	s24 =	sadd.s32 $0x400, s21;
	v48 =	vld.idx.msk [tilespmem:v51+s20+$0x0], $0xffff;
	[tilespmem:s21+$0xFFFFFEE0] =	vst v11  }
0x1ae: {  	v10 =	vld [tilespmem:$0x1FE10];
	[tilespmem:s24+$0x180] =	vst v24  }
0x1af: {  	v41 =	vmul.f32 $8.000000000e+00, v41;
	v52 =	vmov v0;
	v0 =	vld [tilespmem:$0x1FE00];
	_ =	sdelay $0x1  }
0x1b0: {  	v33 =	vld.idx.msk [tilespmem:v33+s20+$0x0], $0xffff;
	v50 =	vadd.s32 v15, v7;
	v15 =	vmul.f32 $8.000000000e+00, v12;
	v12 =	vadd.f32 v41, v25;
	_ =	sdelay $0x1  }
0x1b1: {  	v31 =	vld.idx.msk [tilespmem:v31+s9+$0x0], $0xffff;
	v34 =	vmul.f32 $8.000000000e+00, v34;
	v48 =	vmul.f32 $8.000000000e+00, v48;
	v47 =	vadd.s32 v54, v6;
	[tilespmem:s24+$0xFFFFFE80] =	vst v12  }
0x1b2: {  	v15 =	vadd.f32 v15, v26;
	v51 =	vadd.s32 v10, v8;
	v10 =	vadd.s32 v0, v30;
	v0 =	vld [tilespmem:$0x1FDE0]  }
0x1b3: {  	v34 =	vadd.f32 v34, v29;
	v53 =	vmul.f32 $8.000000000e+00, v53  }
0x1b4: {  	v33 =	vmul.f32 $8.000000000e+00, v33;
	v11 =	vld.idx.msk [tilespmem:v40+s9+$0x0], $0xffff;
	v40 =	vadd.f32 v48, v28;
	[tilespmem:s24+$0xFFFFFF00] =	vst v15  }
0x1b5: {  	v41 =	vadd.f32 v53, v19;
	v15 =	vld [tilespmem:$0x1FD30];
	[tilespmem:s24+$0xFFFFFF80] =	vst v34  }
0x1b6: {  	v33 =	vadd.f32 v33, v31;
	[tilespmem:s24+$0x0] =	vst v40  }
0x1b7: {  	v47 =	vld.idx.msk [tilespmem:v47+s20+$0x0], $0xffff;
	[tilespmem:s24+$0x80] =	vst v41;
	v12 =	vadd.s32 v0, v23  }
0x1b8: {  	v48 =	vld.idx.msk [tilespmem:v50+s20+$0x0], $0xffff;
	[tilespmem:s24+$0x100] =	vst v33  }
0x1b9: {  	v24 =	vld [tilespmem:$0x1FC10]  }
0x1ba: {  	v0 =	vld.idx.msk [tilespmem:v49+s20+$0x0], $0xffff;
	v15 =	vadd.s32 v15, v21  }
0x1bb: {  	v32 =	vmul.f32 $8.000000000e+00, v32;
	v50 =	vmul.f32 $8.000000000e+00, v45;
	v45 =	vld.idx.msk [tilespmem:v51+s20+$0x0], $0xffff  }
0x1bc: {  	v53 =	vmov v31;
	v31 =	vld.idx.msk [tilespmem:v12+s20+$0x0], $0xffff  }
0x1bd: {  	v32 =	vadd.f32 v32, v11;
	v51 =	vmul.f32 $8.000000000e+00, v46;
	v12 =	vld [tilespmem:$0x1FC70]  }
0x1be: {  	v34 =	vadd.s32 v18, v3;
	v46 =	vadd.f32 v50, v60;
	v10 =	vld.idx.msk [tilespmem:v10+s20+$0x0], $0xffff  }
0x1bf: {  	v40 =	vadd.f32 v51, v61;
	v0 =	vmul.f32 $8.000000000e+00, v0;
	[tilespmem:s24+$0xFFFFFE00] =	vst v32;
	v15 =	vld.idx.msk [tilespmem:v15+s20+$0x0], $0xffff  }
0x1c0: {  	v50 =	vmul.f32 $8.000000000e+00, v47;
	[tilespmem:s21+$0xFFFFFF60] =	vst v46  }
0x1c1: {  	v41 =	vadd.s32 v9, v6;
	v51 =	vmul.f32 $8.000000000e+00, v48;
	v9 =	vld [tilespmem:$0x1FF20];
	[tilespmem:s21+$0xFFFFFFE0] =	vst v40;
	v18 =	vadd.f32 v0, v52  }
0x1c2: {  	v48 =	vmul.f32 $8.000000000e+00, v45;
	v32 =	vadd.f32 v50, v25;
	v0 =	vld [tilespmem:$0x1FE40];
	v12 =	vadd.s32 v12, v24  }
0x1c3: {  	v10 =	vmul.f32 $8.000000000e+00, v10;
	v33 =	vld.idx.msk [tilespmem:v34+s20+$0x0], $0xffff;
	v34 =	vadd.f32 v51, v26;
	[tilespmem:s24+$0x190] =	vst v18  }
0x1c4: {  	v51 =	vadd.f32 v48, v29;
	v18 =	vld [tilespmem:$0x1FCD0];
	[tilespmem:s24+$0xFFFFFE90] =	vst v32;
	v15 =	vmul.f32 $8.000000000e+00, v15  }
0x1c5: {  	v10 =	vadd.f32 v10, v28;
	v31 =	vmul.f32 $8.000000000e+00, v31;
	v47 =	vld [tilespmem:$0x1FD00];
	[tilespmem:s24+$0xFFFFFF10] =	vst v34  }
0x1c6: {  	v34 =	vld [tilespmem:$0x1FD40];
	[tilespmem:s24+$0xFFFFFF90] =	vst v51;
	v15 =	vadd.f32 v15, v53  }
0x1c7: {  	v50 =	vadd.s32 v0, v8;
	[tilespmem:s24+$0x10] =	vst v10;
	v0 =	vld.idx.msk [tilespmem:v12+s20+$0x0], $0xffff;
	v12 =	vadd.f32 v31, v19  }
0x1c8: {  	v46 =	vadd.s32 v9, v7;
	[tilespmem:s24+$0x110] =	vst v15  }
0x1c9: {  	v42 =	vld.idx.msk [tilespmem:v42+s20+$0x0], $0xffff;
	v33 =	vmul.f32 $8.000000000e+00, v33;
	[tilespmem:s24+$0x90] =	vst v12  }
0x1ca: {  	v10 =	vmul.f32 $8.000000000e+00, v43;
	v9 =	vld [tilespmem:$0x1FC80]  }
0x1cb: {  	v36 =	vld.idx.msk [tilespmem:v36+s20+$0x0], $0xffff;
	v33 =	vadd.f32 v33, v11;
	v18 =	vadd.s32 v18, v30  }
0x1cc: {  	v41 =	vld.idx.msk [tilespmem:v41+s20+$0x0], $0xffff;
	v15 =	vadd.f32 v10, v58;
	v40 =	vadd.s32 v47, v23  }
0x1cd: {  	v46 =	vld.idx.msk [tilespmem:v46+s20+$0x0], $0xffff;
	v34 =	vadd.s32 v34, v21;
	[tilespmem:s24+$0xFFFFFE10] =	vst v33  }
0x1ce: {  	v32 =	vadd.s32 v22, v3;
	v48 =	vld.idx.msk [tilespmem:v50+s20+$0x0], $0xffff;
	[tilespmem:s21+$0x60] =	vst v15  }
0x1cf: {  	v50 =	vmul.f32 $8.000000000e+00, v44;
	v10 =	vadd.s32 v9, v24;
	v9 =	vld [tilespmem:$0x1FF80]  }
0x1d0: {  	v18 =	vld.idx.msk [tilespmem:v18+s20+$0x0], $0xffff;
	v0 =	vmul.f32 $8.000000000e+00, v0  }
0x1d1: {  	v51 =	vmul.f32 $8.000000000e+00, v41;
	v31 =	vadd.f32 v50, v62;
	v12 =	vld.idx.msk [tilespmem:v40+s20+$0x0], $0xffff  }
0x1d2: {  	v49 =	vmov v19;
	v45 =	vadd.s32 v20, v6;
	v33 =	vld.idx.msk [tilespmem:v34+s20+$0x0], $0xffff;
	v19 =	vadd.f32 v0, v52  }
0x1d3: {  	v15 =	vld.idx.msk [tilespmem:v32+s20+$0x0], $0xffff;
	v46 =	vmul.f32 $8.000000000e+00, v46;
	v0 =	vadd.f32 v51, v25;
	[tilespmem:s21+$0xE0] =	vst v31  }
0x1d4: {  	v48 =	vmul.f32 $8.000000000e+00, v48;
	v41 =	vadd.s32 v9, v7;
	v9 =	vld [tilespmem:$0x1FEC0];
	[tilespmem:s24+$0x1A0] =	vst v19  }
0x1d5: {  	v32 =	vadd.f32 v46, v26;
	v18 =	vmul.f32 $8.000000000e+00, v18;
	v19 =	vld [tilespmem:$0x1FCE0];
	[tilespmem:s24+$0xFFFFFEA0] =	vst v0  }
0x1d6: {  	v5 =	vadd.s32 v13, v5;
	v51 =	vadd.f32 v48, v29;
	v0 =	vmul.f32 $8.000000000e+00, v12;
	v44 =	vld [tilespmem:$0x1FD10]  }
0x1d7: {  	v18 =	vadd.f32 v18, v28;
	v40 =	vld.idx.msk [tilespmem:v45+s20+$0x0], $0xffff;
	[tilespmem:s24+$0xFFFFFF20] =	vst v32;
	v45 =	vmul.f32 $8.000000000e+00, v33  }
0x1d8: {  	v46 =	vld [tilespmem:$0x1FD50];
	[tilespmem:s24+$0xFFFFFFA0] =	vst v51;
	v0 =	vadd.f32 v0, v49  }
0x1d9: {  	v20 =	vld.idx.msk [tilespmem:v10+s20+$0x0], $0xffff;
	[tilespmem:s24+$0x20] =	vst v18;
	v32 =	vadd.f32 v45, v53;
	v50 =	vadd.s32 v9, v8  }
0x1da: {  	[tilespmem:s24+$0xA0] =	vst v0;
	v19 =	vadd.s32 v19, v30  }
0x1db: {  	v5 =	vld.idx.msk [tilespmem:v5+s20+$0x0], $0xffff;
	v15 =	vmul.f32 $8.000000000e+00, v15;
	[tilespmem:s24+$0x120] =	vst v32;
	v34 =	vadd.s32 v44, v23  }
0x1dc: {  	v18 =	vmul.f32 $8.000000000e+00, v42;
	v9 =	vld [tilespmem:$0x1FC90]  }
0x1dd: {  	v15 =	vadd.f32 v15, v11;
	v41 =	vld.idx.msk [tilespmem:v41+s20+$0x0], $0xffff;
	v0 =	vmul.f32 $8.000000000e+00, v36  }
0x1de: {  	v18 =	vadd.f32 v18, v56;
	v20 =	vmul.f32 $8.000000000e+00, v20;
	v48 =	vld.idx.msk [tilespmem:v50+s20+$0x0], $0xffff  }
0x1df: {  	v0 =	vadd.f32 v0, v57;
	[tilespmem:s24+$0xFFFFFE20] =	vst v15;
	v33 =	vadd.s32 v46, v21;
	v19 =	vld.idx.msk [tilespmem:v19+s20+$0x0], $0xffff  }
0x1e0: {  	v10 =	vadd.s32 v14, v3;
	[tilespmem:s21+$0x160] =	vst v18;
	v20 =	vadd.f32 v20, v52;
	v50 =	vld.idx.msk [tilespmem:v34+s20+$0x0], $0xffff  }
0x1e1: {  	v40 =	vmul.f32 $8.000000000e+00, v40;
	v51 =	vadd.s32 v9, v24;
	v9 =	vld [tilespmem:$0x1FE50];
	[tilespmem:s21+$0xFFFFFE60] =	vst v0  }
0x1e2: {  	v38 =	vld.idx.msk [tilespmem:v38+s20+$0x0], $0xffff;
	v18 =	vmul.f32 $8.000000000e+00, v41;
	[tilespmem:s24+$0x1B0] =	vst v20  }
0x1e3: {  	v46 =	vmov v17;
	v34 =	vadd.s32 v17, v6;
	v17 =	vadd.f32 v40, v25;
	v20 =	vld [tilespmem:$0x1FCF0]  }
0x1e4: {  	v18 =	vadd.f32 v18, v26;
	v15 =	vld.idx.msk [tilespmem:v33+s20+$0x0], $0xffff  }
0x1e5: {  	v10 =	vld.idx.msk [tilespmem:v10+s20+$0x0], $0xffff;
	[tilespmem:s24+$0xFFFFFEB0] =	vst v17;
	v45 =	vmul.f32 $8.000000000e+00, v48;
	v19 =	vmul.f32 $8.000000000e+00, v19  }
0x1e6: {  	v48 =	vadd.s32 v16, v8;
	v32 =	vmul.f32 $8.000000000e+00, v50;
	v50 =	vld [tilespmem:$0x1FD20];
	[tilespmem:s24+$0xFFFFFF30] =	vst v18  }
0x1e7: {  	v36 =	vadd.s32 v9, v7;
	v17 =	vadd.f32 v45, v29;
	v18 =	vadd.f32 v19, v28;
	v19 =	vld [tilespmem:$0x1FD60]  }
0x1e8: {  	v51 =	vld.idx.msk [tilespmem:v51+s20+$0x0], $0xffff;
	v20 =	vadd.s32 v20, v30  }
0x1e9: {  	v34 =	vld.idx.msk [tilespmem:v34+s20+$0x0], $0xffff;
	v15 =	vmul.f32 $8.000000000e+00, v15;
	[tilespmem:s24+$0xFFFFFFB0] =	vst v17  }
0x1ea: {  	v42 =	vmov v16;
	v16 =	vmul.f32 $8.000000000e+00, v10;
	v32 =	vadd.f32 v32, v49;
	v43 =	vld [tilespmem:$0x1FE60]  }
0x1eb: {  	v5 =	vmul.f32 $8.000000000e+00, v5;
	[tilespmem:s24+$0x30] =	vst v18;
	v18 =	vld.idx.msk [tilespmem:v48+s20+$0x0], $0xffff;
	v15 =	vadd.f32 v15, v53  }
0x1ec: {  	v16 =	vadd.f32 v16, v11;
	[tilespmem:s24+$0xB0] =	vst v32;
	v36 =	vld.idx.msk [tilespmem:v36+s20+$0x0], $0xffff;
	v19 =	vadd.s32 v19, v21  }
0x1ed: {  	v4 =	vadd.f32 v5, v4;
	v44 =	vmul.f32 $8.000000000e+00, v38;
	[tilespmem:s24+$0x130] =	vst v15;
	v20 =	vld.idx.msk [tilespmem:v20+s20+$0x0], $0xffff  }
0x1ee: {  	v33 =	vadd.s32 v50, v23;
	v0 =	vld [tilespmem:$0x1FCA0];
	[tilespmem:s24+$0xFFFFFE30] =	vst v16  }
0x1ef: {  	v15 =	vmul.f32 $8.000000000e+00, v51;
	v50 =	vadd.f32 v44, v63;
	v51 =	vld [tilespmem:$0x1FF90];
	[tilespmem:s21+$0x1F0] =	vst v4;
	v17 =	vadd.s32 v43, v3  }
0x1f0: {  	v10 =	vld [tilespmem:$0x1FEA0]  }
0x1f1: {  	[tilespmem:s21+$0xFFFFFEF0] =	vst v50;
	v16 =	vld.idx.msk [tilespmem:v19+s20+$0x0], $0xffff;
	v19 =	vmul.f32 $8.000000000e+00, v34  }
0x1f2: {  	v15 =	vadd.f32 v15, v52;
	v50 =	vld [tilespmem:$0x1FEB0]  }
0x1f3: {  	v5 =	vld.idx.msk [tilespmem:v33+s20+$0x0], $0xffff;
	v45 =	vadd.s32 v0, v24;
	v19 =	vadd.f32 v19, v25  }
0x1f4: {  	[tilespmem:s24+$0x1C0] =	vst v15;
	v4 =	vld.idx.msk [tilespmem:v17+s20+$0x0], $0xffff;
	v17 =	vmul.f32 $8.000000000e+00, v36  }
0x1f5: {  	v18 =	vmul.f32 $8.000000000e+00, v18;
	v40 =	vld [tilespmem:$0x1FDB0];
	[tilespmem:s24+$0xFFFFFEC0] =	vst v19  }
0x1f6: {  	v17 =	vadd.f32 v17, v26;
	v41 =	vld [tilespmem:$0x1FE20]  }
0x1f7: {  	v18 =	vadd.f32 v18, v29;
	v34 =	vld.idx.msk [tilespmem:v35+s20+$0x0], $0xffff;
	v63 =	vadd.s32 v51, v6  }
0x1f8: {  	v33 =	vadd.s32 v10, v7;
	v0 =	vld.idx.msk [tilespmem:v45+s20+$0x0], $0xffff;
	[tilespmem:s24+$0xFFFFFF40] =	vst v17  }
0x1f9: {  	v20 =	vmul.f32 $8.000000000e+00, v20;
	v36 =	vadd.s32 v50, v8;
	v44 =	vld [tilespmem:$0x1FDF0];
	[tilespmem:s24+$0xFFFFFFC0] =	vst v18  }
0x1fa: {  	v5 =	vmul.f32 $8.000000000e+00, v5;
	v45 =	vld [tilespmem:$0x1FEE0]  }
0x1fb: {  	v35 =	vld.idx.msk [tilespmem:v39+s20+$0x0], $0xffff;
	v17 =	vadd.f32 v20, v28;
	v19 =	vadd.s32 v41, v23  }
0x1fc: {  	v16 =	vmul.f32 $8.000000000e+00, v16;
	v32 =	vld.idx.msk [tilespmem:v63+s20+$0x0], $0xffff;
	v5 =	vadd.f32 v5, v49  }
0x1fd: {  	v4 =	vmul.f32 $8.000000000e+00, v4;
	v33 =	vld.idx.msk [tilespmem:v33+s20+$0x0], $0xffff;
	[tilespmem:s24+$0x40] =	vst v17  }
0x1fe: {  	v16 =	vadd.f32 v16, v53;
	v9 =	vld.idx.msk [tilespmem:v36+s20+$0x0], $0xffff;
	[tilespmem:s24+$0xC0] =	vst v5;
	v20 =	vadd.s32 v44, v21  }
0x1ff: {  	v15 =	vadd.s32 v40, v30;
	v4 =	vadd.f32 v4, v11;
	v18 =	vadd.s32 v45, v3;
	v45 =	vld [tilespmem:$0x1FD80]  }
0x200: {  	v17 =	vmul.f32 $8.000000000e+00, v34;
	[tilespmem:s24+$0x140] =	vst v16;
	v16 =	vld.idx.msk [tilespmem:v19+s20+$0x0], $0xffff  }
0x201: {  	v5 =	vmul.f32 $8.000000000e+00, v35;
	v19 =	vmul.f32 $8.000000000e+00, v0;
	v0 =	vld [tilespmem:$0x1FCB0];
	[tilespmem:s24+$0xFFFFFE40] =	vst v4  }
0x202: {  	v17 =	vadd.f32 v17, v60;
	v48 =	vld [tilespmem:$0x1FF70]  }
0x203: {  	v5 =	vadd.f32 v5, v61;
	v4 =	vld.idx.msk [tilespmem:v20+s20+$0x0], $0xffff;
	v20 =	vmul.f32 $8.000000000e+00, v32  }
0x204: {  	v15 =	vld.idx.msk [tilespmem:v15+s20+$0x0], $0xffff;
	[tilespmem:s21+$0xFFFFFF70] =	vst v17;
	v19 =	vadd.f32 v19, v52  }
0x205: {  	v40 =	vld [tilespmem:$0x1FF60];
	[tilespmem:s21+$0xFFFFFFF0] =	vst v5;
	v5 =	vadd.f32 v20, v25  }
0x206: {  	v2 =	vadd.s32 v45, v2;
	v35 =	vld [tilespmem:$0x1FF50];
	[tilespmem:s24+$0x1D0] =	vst v19  }
0x207: {  	v0 =	vadd.s32 v0, v24;
	v44 =	vld [tilespmem:$0x1FE80];
	[tilespmem:s24+$0xFFFFFED0] =	vst v5  }
0x208: {  	v51 =	vadd.s32 v48, v6;
	v48 =	vld [tilespmem:$0x1FF10]  }
0x209: {  	v17 =	vld.idx.msk [tilespmem:v18+s20+$0x0], $0xffff;
	v18 =	vmul.f32 $8.000000000e+00, v33  }
0x20a: {  	v41 =	vld.idx.msk [tilespmem:v37+s20+$0x0], $0xffff;
	v20 =	vmul.f32 $8.000000000e+00, v9  }
0x20b: {  	v15 =	vmul.f32 $8.000000000e+00, v15;
	v18 =	vadd.f32 v18, v26;
	v2 =	vld.idx.msk [tilespmem:v2+s20+$0x0], $0xffff  }
0x20c: {  	v47 =	vmov v21;
	v5 =	vadd.f32 v20, v29;
	v21 =	vld.idx.msk [tilespmem:v0+s20+$0x0], $0xffff  }
0x20d: {  	v12 =	vmov v23;
	v15 =	vadd.f32 v15, v28;
	[tilespmem:s24+$0xFFFFFF50] =	vst v18;
	v20 =	vadd.s32 v48, v23;
	v23 =	vld.idx.msk [tilespmem:v51+s20+$0x0], $0xffff  }
0x20e: {  	v51 =	vld [tilespmem:$0x1FED0];
	[tilespmem:s24+$0xFFFFFFD0] =	vst v5  }
0x20f: {  	v32 =	vadd.s32 v40, v7;
	v61 =	vld [tilespmem:$0x1FE90];
	[tilespmem:s24+$0x50] =	vst v15  }
0x210: {  	v16 =	vmul.f32 $8.000000000e+00, v16;
	v9 =	vadd.s32 v35, v8;
	v0 =	vld [tilespmem:$0x1FCC0]  }
0x211: {  	v4 =	vmul.f32 $8.000000000e+00, v4;
	v19 =	vadd.s32 v44, v30  }
0x212: {  	v16 =	vadd.f32 v16, v49;
	v17 =	vmul.f32 $8.000000000e+00, v17  }
0x213: {  	v4 =	vadd.f32 v4, v53;
	v18 =	vadd.s32 v51, v47  }
0x214: {  	v33 =	vmul.f32 $8.000000000e+00, v41;
	v32 =	vld.idx.msk [tilespmem:v32+s20+$0x0], $0xffff;
	[tilespmem:s24+$0xD0] =	vst v16;
	v16 =	vadd.f32 v17, v11  }
0x215: {  	v22 =	vld.idx.msk [tilespmem:v9+s20+$0x0], $0xffff;
	v2 =	vmul.f32 $8.000000000e+00, v2;
	[tilespmem:s24+$0x150] =	vst v4;
	v15 =	vadd.s32 v0, v59  }
0x216: {  	v17 =	vld.idx.msk [tilespmem:v19+s20+$0x0], $0xffff;
	v19 =	vadd.f32 v33, v58;
	[tilespmem:s24+$0xFFFFFE50] =	vst v16  }
0x217: {  	v21 =	vmul.f32 $8.000000000e+00, v21;
	v2 =	vadd.f32 v2, v62;
	v62 =	vld [tilespmem:$0x1FEF0]  }
0x218: {  	[tilespmem:s23+$0x70] =	vst v19;
	v16 =	vld.idx.msk [tilespmem:v18+s20+$0x0], $0xffff;
	v18 =	vmul.f32 $8.000000000e+00, v23  }
0x219: {  	v19 =	vmul.f32 $8.000000000e+00, v32;
	v21 =	vadd.f32 v21, v52;
	v5 =	vadd.s32 v61, v3;
	v63 =	vld [tilespmem:$0x1FD70]  }
0x21a: {  	[tilespmem:s23+$0xF0] =	vst v2;
	v2 =	vld.idx.msk [tilespmem:v15+s20+$0x0], $0xffff;
	v15 =	vadd.f32 v18, v25;
	v18 =	vmul.f32 $8.000000000e+00, v22  }
0x21b: {  	v31 =	vld [tilespmem:$0x1FD90];
	[tilespmem:s24+$0x1E0] =	vst v21;
	v19 =	vadd.f32 v19, v26  }
0x21c: {  	v4 =	vadd.s32 v13, v24;
	v23 =	vld [tilespmem:$0x1FDA0];
	[tilespmem:s24+$0xFFFFFEE0] =	vst v15;
	v15 =	vadd.f32 v18, v29  }
0x21d: {  	v20 =	vld.idx.msk [tilespmem:v20+s20+$0x0], $0xffff;
	[tilespmem:s24+$0xFFFFFF60] =	vst v19  }
0x21e: {  	v6 =	vadd.s32 v62, v6;
	v5 =	vld.idx.msk [tilespmem:v5+s20+$0x0], $0xffff;
	[tilespmem:s24+$0xFFFFFFE0] =	vst v15  }
0x21f: {  	v7 =	vadd.s32 v63, v7;
	v9 =	vld [tilespmem:$0x1FE70]  }
0x220: {  	v8 =	vadd.s32 v31, v8  }
0x221: {  	v17 =	vmul.f32 $8.000000000e+00, v17;
	v4 =	vld.idx.msk [tilespmem:v4+s20+$0x0], $0xffff;
	v22 =	vadd.s32 v23, v30  }
0x222: {  	v13 =	vadd.s32 v45, v12;
	v21 =	vld.idx.msk [tilespmem:v27+s20+$0x0], $0xffff;
	v18 =	vmul.f32 $8.000000000e+00, v20  }
0x223: {  	v12 =	vadd.s32 v0, v47;
	v14 =	vadd.f32 v17, v28;
	v6 =	vld.idx.msk [tilespmem:v6+s20+$0x0], $0xffff;
	v16 =	vmul.f32 $8.000000000e+00, v16  }
0x224: {  	v5 =	vmul.f32 $8.000000000e+00, v5;
	v7 =	vld.idx.msk [tilespmem:v7+s20+$0x0], $0xffff;
	v15 =	vadd.f32 v18, v49;
	v3 =	vadd.s32 v9, v3  }
0x225: {  	[tilespmem:s24+$0x60] =	vst v14;
	v2 =	vmul.f32 $8.000000000e+00, v2;
	v8 =	vld.idx.msk [tilespmem:v8+s20+$0x0], $0xffff;
	v14 =	vadd.f32 v16, v53  }
0x226: {  	v4 =	vmul.f32 $8.000000000e+00, v4;
	[tilespmem:s24+$0xE0] =	vst v15;
	v5 =	vadd.f32 v5, v11;
	v16 =	vld.idx.msk [tilespmem:v22+s20+$0x0], $0xffff  }
0x227: {  	v15 =	vmul.f32 $8.000000000e+00, v21;
	v2 =	vadd.f32 v2, v56;
	[tilespmem:s24+$0x160] =	vst v14;
	v13 =	vld.idx.msk [tilespmem:v13+s20+$0x0], $0xffff  }
0x228: {  	v0 =	vadd.f32 v4, v52;
	[tilespmem:s24+$0xFFFFFE60] =	vst v5;
	v5 =	vmul.f32 $8.000000000e+00, v6;
	v6 =	vld.idx.msk [tilespmem:v12+s20+$0x0], $0xffff  }
0x229: {  	v14 =	vadd.f32 v15, v57;
	[tilespmem:s23+$0x170] =	vst v2;
	v2 =	vmul.f32 $8.000000000e+00, v7;
	v3 =	vld.idx.msk [tilespmem:v3+s20+$0x0], $0xffff  }
0x22a: {  	[tilespmem:s24+$0x1F0] =	vst v0;
	v4 =	vadd.f32 v5, v25;
	v5 =	vmul.f32 $8.000000000e+00, v8  }
0x22b: {  	[tilespmem:s23+$0xFFFFFE70] =	vst v14;
	v2 =	vadd.f32 v2, v26;
	v0 =	vmul.f32 $8.000000000e+00, v16  }
0x22c: {  	[tilespmem:s24+$0xFFFFFEF0] =	vst v4;
	v4 =	vadd.f32 v5, v29;
	v5 =	vmul.f32 $8.000000000e+00, v13  }
0x22d: {  	[tilespmem:s24+$0xFFFFFF70] =	vst v2;
	v2 =	vmul.f32 $8.000000000e+00, v6;
	v0 =	vadd.f32 v0, v28  }
0x22e: {  	[tilespmem:s24+$0xFFFFFFF0] =	vst v4;
	v4 =	vadd.f32 v5, v49;
	v3 =	vmul.f32 $8.000000000e+00, v3  }
0x22f: {  	[tilespmem:s24+$0x70] =	vst v0;
	v0 =	vadd.f32 v2, v53  }
0x230: {  	[tilespmem:s24+$0xF0] =	vst v4;
	v2 =	vadd.f32 v3, v11  }
0x231: {  	[tilespmem:s24+$0x170] =	vst v0  }
0x232: {  	[tilespmem:s24+$0xFFFFFE70] =	vst v2  }
0x233: {  	v4 =	vld [tilespmem:$0x1FFB0]  }
0x234: {  	v16 =	vld [tilespmem:$0x1FFD0]  }
0x235: {  	v49 =	vld [tilespmem:$0x1FF00]  }
0x236: {  	v26 =	vld [tilespmem:$0x1FFC0]  }
0x237: {  	v56 =	vld [tilespmem:$0x1FFE0]  }
0x238: {  	v3 =	vld [tilespmem:$0x1FF40]  }
0x239: {  	s31 =	sshll.u32 s17, $0xF;
	v32 =	vld [tilespmem:$0x1FFA0]  }
0x23a: {  	s18 =	sadd.s32 $0x3, s18;
	p1 =	sgt.u32 s17, $0xC5;
	s21 =	sadd.s32 s31, s6;
	v36 =	vld [tilespmem:$0x1FF20]  }
0x23b: {  	[hbm4b:s21+s10] =	stream.strided.scatter [tilespmem:s22], [sflag:s18], $0x2000, s13, s10, $0x38;
	v39 =	vld [tilespmem:$0x1FF80]  }
0x23c: {  	s18 =	sshll.u32 @!p1 s17, $0x7;
	v41 =	vld [tilespmem:$0x1FE50]  }
0x23d: {  	v19 =	vld [tilespmem:$0x1FDD0];
	s18 =	sand.u32 @!p1 $0x3FFFFF80, s18  }
0x23e: {  	s21 =	simm.s32 @!p1 $0x80;
	s17 =	sadd.s32 $0x1, s17;
	v33 =	vld [tilespmem:$0x1FE10];
	s18 =	sadd.s32 @!p1 $0x100, s18  }
0x23f: {  	v24 =	vmov v43;
	v43 =	vmov v46;
	v46 =	vld [tilespmem:$0x1FE40];
	[tilespmem:s20], [sflag:s19] =	stream.indirect.gather @!p1 [hbm4b:s4+s21], $0x48, s18, s21, $0xb8  }
0x240: {  	v34 =	vmov v40;
	v40 =	vld [tilespmem:$0x1FEC0];
	p1 =	sne.s32 s17, $0xC8  }
.Ltmp1:
0x241: {  	v20 =	vld [tilespmem:$0x1FDC0];
	(pc) =	sbr.rel @p1 .LBB2_2-.Ltmp1, $4  }
0x242: {  	v38 =	vmov v10;
	v10 =	vld [tilespmem:$0x1FE00]  }
0x243: {  	v21 =	vld [tilespmem:$0x1FE30]  }
0x244: {  	v47 =	vld [tilespmem:$0x1FDE0]  }
0x245: {  	p0 =	por !p0, !p0;
	v44 =	vmov v9;
	v15 =	vmov v50;
	v12 =	vld [tilespmem:$0x1FF30]  }
0x246: {  	s16 =	sadd.s32 $0x1, s16  }
0x247: {  	_ =	swait.ge [sflag:s14], $0x2000;
	p0 =	sne.s32 s16, s7  }
.Ltmp2:
0x248: {  	[sflag:s14] =	ssyncset.done $0x0;
	(pc) =	sbr.rel @p0 .LBB2_1-.Ltmp2, $4  }
0x249: {  	[sflag:s14] =	ssyncadd.s32 $0xFFFFE000  }
0x24a: {  	_ =	swait.ge [sflag:s15], $0x2000  }
0x24b: {  	[sflag:s15] =	ssyncset.done $0x0  }
0x24c: {  	[sflag:s15] =	ssyncadd.s32 $0xFFFFE000  }
0x24d: {  	_ =	sfence.sel $0x180000  }
0x24e: {  	[bflag:$0x0] =	sbarrier.arrive $0xFFFF  }
0x24f: {  	p0 =	sne.s32 s2, $0x0;
	_ =	strace $0x90000047  }
0x250: {  	s0 =	sadd.s32 @!p0 $0x100000, s0;
	[bflag:$0x2] =	sbarrier.arrive $0xFFFF  }
0x251: {  	[sflag:s0] =	ssyncadd.tile.s32 @!p0 $0x1;
	_ =	shalt  }
.Lfunc_end2:
_tile_overlayer_lowered:
.L_overlay_start_2:
0x252: {  	(tag) =	ssettag $0x2  }
0x253: {  	s0 =	rddreg [dreg:$0x0];
	s2 =	stileid.u32  }
0x254: {  	s1 =	rddreg [dreg:$0x1];
	p0 =	sne.s32 s2, $0x0  }
0x255: {  	s3 =	rddreg [dreg:$0x2];
	[bflag:$0x3] =	sbarrier.arrive $0xFFFF;
	s2 =	simm.s32 @!p0 $0x1C05  }
0x256: {  	[timem:s3], [sflag:s2] =	dma.local @!p0 [hbm:s0], s1  }
0x257: {  	s0 =	simm.s32 @!p0 $0x5  }
0x258: {  	_ =	swait.ge @!p0 [sflag:s0], s1  }
0x259: {  	s1 =	ssub.s32 @!p0 $0x0, s1;
	[sflag:s0] =	ssyncset.done @!p0 $0x0  }
0x25a: {  	[sflag:s0] =	ssyncadd.s32 @!p0 s1  }
0x25b: {  	[bflag:$0x3] =	sbarrier.arrive $0xFFFF  }
0x25c: {  	_ =	shalt  }

</sc_bundles>
